<compile_context>
chip_gen: v7x
topology: tpu7x:2x2x1
jax: 0.10.2.dev20260603
libtpu: 0.0.44.dev20260713+nightly
codegen_flags: <defaults>
</compile_context>

<pallas_src>
import functools

import jax
import jax.numpy as jnp
from jax import lax
from jax.experimental import pallas as pl
from jax.experimental.pallas import tpu as pltpu
from jax.experimental.pallas import tpu_sc as plsc

E = 8
D = 1024
DFF = 1024
T = 2048
K = 2

BLK = 256
NSLOT = 2
P = T * K + E * BLK
NBLOCKS = P // BLK

NC = 2
NS = 16
NW = NC * NS
TPW = T // NW
PPW = (T * K) // NW
WREP_W = 128
D2 = D // 2


def _worker_id():
    return lax.axis_index("s") * NC + lax.axis_index("c")


@functools.lru_cache(maxsize=None)
def _sc_mesh():
    return plsc.VectorSubcoreMesh(core_axis_name="c", subcore_axis_name="s",
                                  num_cores=NC, num_subcores=NS)


@functools.lru_cache(maxsize=None)
def _sc_dispatch():
    @functools.partial(
        pl.kernel,
        out_type=(
            jax.ShapeDtypeStruct((P, D2), jnp.float32),
            jax.ShapeDtypeStruct((P, WREP_W), jnp.float32),
        ),
        mesh=_sc_mesh(),
        scratch_types=(
            pltpu.VMEM((TPW, D2), jnp.float32),
            pltpu.VMEM((PPW, WREP_W), jnp.float32),
            pltpu.VMEM((TPW,), jnp.int32),
            pltpu.VMEM((TPW,), jnp.int32),
            pltpu.VMEM((PPW,), jnp.int32),
            pltpu.SemaphoreType.DMA,
        ),
    )
    def body(hidden_hbm, wrep_hbm, pos_e_hbm, pos_o_hbm, pos_hbm,
             xg_hbm, wg_hbm, tbuf, wbuf, idx_e, idx_o, idx_p, sem):
        wid = _worker_id()
        tb = wid * TPW
        pb = wid * PPW
        pltpu.sync_copy(hidden_hbm.at[pl.ds(tb, TPW)], tbuf)
        pltpu.sync_copy(pos_e_hbm.at[pl.ds(tb, TPW)], idx_e)
        pltpu.sync_copy(pos_o_hbm.at[pl.ds(tb, TPW)], idx_o)
        pltpu.async_copy(tbuf, xg_hbm.at[idx_e], sem).wait()
        pltpu.async_copy(tbuf, xg_hbm.at[idx_o], sem).wait()
        pltpu.sync_copy(wrep_hbm.at[pl.ds(pb, PPW)], wbuf)
        pltpu.sync_copy(pos_hbm.at[pl.ds(pb, PPW)], idx_p)
        pltpu.async_copy(wbuf, wg_hbm.at[idx_p], sem).wait()

    return body


@functools.lru_cache(maxsize=None)
def _sc_combine():
    @functools.partial(
        pl.kernel,
        out_type=(
            jax.ShapeDtypeStruct((T, D2), jnp.float32),
            jax.ShapeDtypeStruct((T, D2), jnp.float32),
        ),
        mesh=_sc_mesh(),
        scratch_types=(
            pltpu.VMEM((TPW, D2), jnp.float32),
            pltpu.VMEM((TPW,), jnp.int32),
            pltpu.SemaphoreType.DMA,
        ),
    )
    def body(yg_hbm, pos_e_hbm, pos_o_hbm, y0_hbm, y1_hbm, buf, idx, sem):
        wid = _worker_id()
        tb = wid * TPW
        pltpu.sync_copy(pos_e_hbm.at[pl.ds(tb, TPW)], idx)
        pltpu.async_copy(yg_hbm.at[idx], buf, sem).wait()
        pltpu.sync_copy(buf, y0_hbm.at[pl.ds(tb, TPW)])
        pltpu.sync_copy(pos_o_hbm.at[pl.ds(tb, TPW)], idx)
        pltpu.async_copy(yg_hbm.at[idx], buf, sem).wait()
        pltpu.sync_copy(buf, y1_hbm.at[pl.ds(tb, TPW)])

    return body


def _mlp_body(be_ref, nv_ref, jb_ref, seq_ref, nreg_ref,
              x_ref, gup_any, dwn_any, wp_ref, y_ref,
              gup_sl, dwn_sl, gsem, gsem2, dsem):
    i = pl.program_id(0)
    valid = i < nv_ref[0]
    j = jb_ref[i]
    first = jnp.logical_or(i == 0, be_ref[i] != be_ref[jnp.maximum(i - 1, 0)])

    def _copies(jj):
        sl = lax.rem(jj, NSLOT)
        e = seq_ref[jj]
        return (
            pltpu.make_async_copy(gup_any.at[e, pl.ds(0, DFF)],
                                  gup_sl.at[sl, pl.ds(0, DFF)], gsem.at[sl]),
            pltpu.make_async_copy(gup_any.at[e, pl.ds(DFF, DFF)],
                                  gup_sl.at[sl, pl.ds(DFF, DFF)], gsem2.at[sl]),
            pltpu.make_async_copy(dwn_any.at[e], dwn_sl.at[sl], dsem.at[sl]),
        )

    def _start(jj):
        for c in _copies(jj):
            c.start()

    def _wait(jj):
        for c in _copies(jj):
            c.wait()

    @pl.when(i == 0)
    def _():
        _start(0)
        for jj in range(1, NSLOT):
            @pl.when(nreg_ref[0] > jj)
            def _(jj=jj):
                _start(jj)

    @pl.when(jnp.logical_and(valid, first))
    def _():
        _wait(j)

        @pl.when(jnp.logical_and(j >= 1, j + NSLOT - 1 < nreg_ref[0]))
        def _():
            _start(j + NSLOT - 1)

    @pl.when(valid)
    def _():
        sl = lax.rem(j, NSLOT)
        xi = lax.bitcast_convert_type(x_ref[...], jnp.int32)
        xa = lax.bitcast_convert_type(lax.shift_left(xi, 16), jnp.float32)
        xb = lax.bitcast_convert_type(
            lax.bitwise_and(xi, jnp.int32(-65536)), jnp.float32)
        x = jnp.concatenate([xa, xb], axis=1)
        h = lax.dot_general(x, gup_sl[sl], (((1,), (1,)), ((), ())),
                            preferred_element_type=jnp.float32,
                            precision=lax.Precision.DEFAULT)
        gate = h[:, :DFF]
        up = h[:, DFF:]
        act = gate * lax.logistic(gate) * up
        y = lax.dot_general(act, dwn_sl[sl], (((1,), (1,)), ((), ())),
                            preferred_element_type=jnp.float32,
                            precision=lax.Precision.DEFAULT)
        yw = y * wp_ref[:, 0:1]
        ra = lax.bitcast_convert_type(
            yw[:, :D2].astype(jnp.bfloat16).astype(jnp.float32), jnp.int32)
        rb = lax.bitcast_convert_type(
            yw[:, D2:].astype(jnp.bfloat16).astype(jnp.float32), jnp.int32)
        y_ref[...] = lax.bitcast_convert_type(
            lax.shift_right_logical(ra, 16)
            | lax.bitwise_and(rb, jnp.int32(-65536)), jnp.float32)


def _grouped_mlp(block_expert, nvalid, jb, seq, nreg, xg, gup, dwn, wg):
    grid_spec = pltpu.PrefetchScalarGridSpec(
        num_scalar_prefetch=5,
        grid=(NBLOCKS,),
        in_specs=[
            pl.BlockSpec((BLK, D2),
                         lambda i, be, nv, *_: (jnp.minimum(i, nv[0] - 1), 0)),
            pl.BlockSpec(memory_space=pl.ANY),
            pl.BlockSpec(memory_space=pl.ANY),
            pl.BlockSpec((BLK, WREP_W),
                         lambda i, be, nv, *_: (jnp.minimum(i, nv[0] - 1), 0)),
        ],
        out_specs=pl.BlockSpec(
            (BLK, D2), lambda i, be, nv, *_: (jnp.minimum(i, nv[0] - 1), 0)),
        scratch_shapes=[
            pltpu.VMEM((NSLOT, 2 * DFF, D), jnp.float32),
            pltpu.VMEM((NSLOT, D, DFF), jnp.float32),
            pltpu.SemaphoreType.DMA((NSLOT,)),
            pltpu.SemaphoreType.DMA((NSLOT,)),
            pltpu.SemaphoreType.DMA((NSLOT,)),
        ],
    )
    return pl.pallas_call(
        _mlp_body,
        grid_spec=grid_spec,
        out_shape=jax.ShapeDtypeStruct((P, D2), jnp.float32),
    )(block_expert, nvalid, jb, seq, nreg, xg, gup, dwn, wg)


def _add_body(a_ref, b_ref, o_ref):
    q0 = lax.bitcast_convert_type(a_ref[...], jnp.int32)
    q1 = lax.bitcast_convert_type(b_ref[...], jnp.int32)

    def lo(q):
        return lax.bitcast_convert_type(lax.shift_left(q, 16), jnp.float32)

    def hi(q):
        return lax.bitcast_convert_type(
            lax.bitwise_and(q, jnp.int32(-65536)), jnp.float32)

    o_ref[:, :D2] = lo(q0) + lo(q1)
    o_ref[:, D2:] = hi(q0) + hi(q1)


def _combine_add(y0, y1):
    return pl.pallas_call(
        _add_body,
        grid=(T // 256,),
        in_specs=[
            pl.BlockSpec((256, D2), lambda i: (i, 0)),
            pl.BlockSpec((256, D2), lambda i: (i, 0)),
        ],
        out_specs=pl.BlockSpec((256, D), lambda i: (i, 0)),
        out_shape=jax.ShapeDtypeStruct((T, D), jnp.float32),
    )(y0, y1)


def kernel(hidden_states, top_k_index, top_k_weights, gate_up_proj, down_proj):
    orig_shape = hidden_states.shape
    x = hidden_states.reshape(-1, D)
    idx = top_k_index.reshape(-1, K).astype(jnp.int32)
    w = top_k_weights.reshape(-1, K).astype(jnp.float32)

    eflat = idx.reshape(-1)
    ohi = (eflat[:, None] == jnp.arange(E, dtype=jnp.int32)[None, :]).astype(jnp.int32)
    rank = jnp.sum((jnp.cumsum(ohi, axis=0) - ohi) * ohi, axis=1)
    counts = jnp.sum(ohi, axis=0)
    padded = ((counts + BLK - 1) // BLK) * BLK
    ends = jnp.cumsum(padded)
    starts = ends - padded
    pos = jnp.sum(ohi * starts[None, :], axis=1) + rank
    pos2 = pos.reshape(T, K)
    pos_e = pos2[:, 0]
    pos_o = pos2[:, 1]
    blk_start = jnp.arange(NBLOCKS, dtype=jnp.int32) * BLK
    valid_blk = blk_start < ends[-1]
    be_raw = jnp.minimum(
        jnp.sum((blk_start[:, None] >= ends[None, :]).astype(jnp.int32), axis=1),
        E - 1).astype(jnp.int32)
    be_last = jnp.max(jnp.where(valid_blk, be_raw, 0)).astype(jnp.int32)
    block_expert = jnp.where(valid_blk, be_raw, be_last)
    first_flag = jnp.concatenate([
        jnp.ones((1,), jnp.int32),
        (block_expert[1:] != block_expert[:-1]).astype(jnp.int32)])
    jb = jnp.cumsum(first_flag) - 1
    nreg = (jb[-1] + 1).reshape(1)
    seq = jnp.zeros((E,), jnp.int32).at[jb].max(block_expert)
    nvalid = (ends[-1] // BLK).astype(jnp.int32).reshape(1)
    wrep = jnp.broadcast_to(w.reshape(-1, 1), (T * K, WREP_W))

    xi_full = lax.bitcast_convert_type(x, jnp.int32)
    ra = xi_full[:, :D2]
    rb = xi_full[:, D2:]
    xv = lax.bitcast_convert_type(
        lax.shift_right_logical(ra, 16)
        | lax.bitwise_and(rb, jnp.int32(-65536)), jnp.float32)
    xg, wg = _sc_dispatch()(xv, wrep, pos_e, pos_o, pos)
    yg = _grouped_mlp(block_expert, nvalid, jb, seq, nreg, xg,
                      gate_up_proj, down_proj, wg)
    y0, y1 = _sc_combine()(yg, pos_e, pos_o)
    out = _combine_add(y0, y1)
    return out.reshape(orig_shape)

# --- scband reference (transcript-rebuilt; emitter-appended) ---
"""Pipeline reference for scband-liger-experts-25288767439422 (READ-ONLY COPY).

The authoritative reference and input builder live on the scoring server;
editing this copy changes nothing except your own understanding.
"""

import jax, jax.numpy as jnp
import numpy as np

NUM_EXPERTS = 8
D_MODEL = 1024
D_FF = 1024
TOKENS = 2048
TOP_K = 2


def setup_inputs(seed: int = 0) -> dict:
    key = jax.random.key(seed)
    k1, k2, k3, k4, k5 = jax.random.split(key, 5)
    hidden_states = jax.random.normal(k1, (TOKENS, D_MODEL), dtype=jnp.float32)
    top_k_index = jax.random.randint(k2, (TOKENS, TOP_K), 0, NUM_EXPERTS, dtype=jnp.int64)
    w = jax.random.uniform(k3, (TOKENS, TOP_K), dtype=jnp.float32)
    top_k_weights = w / jnp.sum(w, axis=-1, keepdims=True)
    gate_up_proj = jax.random.normal(k4, (NUM_EXPERTS, 2 * D_FF, D_MODEL), dtype=jnp.float32) * 0.02
    down_proj = jax.random.normal(k5, (NUM_EXPERTS, D_MODEL, D_FF), dtype=jnp.float32) * 0.02
    return {
        "hidden_states": hidden_states,
        "top_k_index": top_k_index,
        "top_k_weights": top_k_weights,
        "gate_up_proj": gate_up_proj,
        "down_proj": down_proj,
    }


def reference(hidden_states, top_k_index, top_k_weights, gate_up_proj, down_proj):
    orig_shape = hidden_states.shape
    x = hidden_states.reshape(-1, D_MODEL)
    idx = top_k_index.reshape(-1, top_k_index.shape[-1]).astype(jnp.int32)
    w = top_k_weights.reshape(-1, top_k_weights.shape[-1])
    out = jnp.zeros_like(x)
    for e in range(NUM_EXPERTS):
        # combine weight for tokens routed to expert e (0 if not routed)
        w_e = jnp.sum(jnp.where(idx == e, w, 0.0), axis=-1)  # [T]
        h = x @ gate_up_proj[e].T  # [T, 2*D_FF]
        gate = h[:, :D_FF]
        up = h[:, D_FF:]
        act = jax.nn.silu(gate) * up  # LigerSiLUMul: silu(gate) * up
        o = act @ down_proj[e].T  # [T, D_MODEL]
        out = out + o * w_e[:, None]
    return out.reshape(orig_shape)

if __name__ == "__main__":
    import jax
    _d = setup_inputs()
    print(jax.jit(kernel)(*tuple(_d.values())))

</pallas_src>

<mosaic_0001>
#map = affine_map<(d0, d1) -> (0, 0)>
#map1 = affine_map<(d0, d1) -> (0)>
module attributes {stable_mosaic.version = 14 : i64} {
  func.func @body(%arg0: i32, %arg1: i32, %arg2: memref<6144x512xf32, #tpu.memory_space<hbm>>, %arg3: memref<2048xi32, #tpu.memory_space<hbm>>, %arg4: memref<2048xi32, #tpu.memory_space<hbm>>, %arg5: memref<2048x512xf32, #tpu.memory_space<hbm>>, %arg6: memref<2048x512xf32, #tpu.memory_space<hbm>>, %arg7: memref<64x512xf32, #tpu.memory_space<vmem>>, %arg8: memref<64xi32, #tpu.memory_space<vmem>>, %arg9: memref<!tpu.dma_semaphore, #tpu.memory_space<semaphore_mem>>) attributes {dimension_semantics = [#tpu.dimension_semantics<core_parallel>, #tpu.dimension_semantics<subcore_parallel>], iteration_bounds = array<i64: 2, 16>, scalar_prefetch = 0 : i64, scratch_operands = 3 : i64, tpu.core_type = #tpu.core_type<sc_vector_subcore>, window_params = [{transform_indices = #map}, {transform_indices = #map1}, {transform_indices = #map1}, {transform_indices = #map}, {transform_indices = #map}]} {
    %mul3A = arith.constant 2 : i32
    %mul3A_0 = arith.muli %arg1, %mul3A : i32
    %add3A = arith.addi %mul3A_0, %arg0 : i32
    %mul3A_1 = arith.constant 64 : i32
    %mul3A_2 = arith.muli %add3A, %mul3A_1 : i32
    "tpu.region"() ({
      %run_scoped3A = tpu.sem_alloc : memref<!tpu.dma_semaphore, #tpu.memory_space<semaphore_mem>>
      %dma_start3A_13 = tpu.memref_slice %arg3[%mul3A_2] : memref<2048xi32, #tpu.memory_space<hbm>> -> memref<64xi32, #tpu.memory_space<hbm>>
      %dma_start3A_14 = tpu.memref_slice %arg3[%mul3A_2] : memref<2048xi32, #tpu.memory_space<hbm>> -> memref<64xi32, #tpu.memory_space<hbm>>
      tpu.enqueue_dma source(%dma_start3A_14 : memref<64xi32, #tpu.memory_space<hbm>>) target(%arg8 : memref<64xi32, #tpu.memory_space<vmem>>) target_semaphore(%run_scoped3A : memref<!tpu.dma_semaphore, #tpu.memory_space<semaphore_mem>>)
      %dma_wait3A_15 = tpu.memref_slice %arg3[%mul3A_2] : memref<2048xi32, #tpu.memory_space<hbm>> -> memref<64xi32, #tpu.memory_space<hbm>>
      %dma_wait3A_16 = tpu.memref_slice %arg3[%mul3A_2] : memref<2048xi32, #tpu.memory_space<hbm>> -> memref<64xi32, #tpu.memory_space<hbm>>
      tpu.wait_dma2 semaphore(%run_scoped3A : memref<!tpu.dma_semaphore, #tpu.memory_space<semaphore_mem>>) src(%dma_wait3A_16 : memref<64xi32, #tpu.memory_space<hbm>>) dst(%arg8 : memref<64xi32, #tpu.memory_space<vmem>>)
      tpu.yield
    }) : () -> ()
    %dma_start3A = arith.constant 0 : i32
    %dma_start3A_3 = arith.constant 0 : i32
    %dma_start3A_4 = tpu.memref_slice %arg2[%dma_start3A, %dma_start3A_3] : memref<6144x512xf32, #tpu.memory_space<hbm>> -> memref<6144x512xf32, #tpu.memory_space<hbm>>
    tpu.enqueue_indirect_dma source(%dma_start3A_4 : memref<6144x512xf32, #tpu.memory_space<hbm>>) target(%arg7 : memref<64x512xf32, #tpu.memory_space<vmem>>) offsets(%arg8 : memref<64xi32, #tpu.memory_space<vmem>>) semaphore(%arg9 : memref<!tpu.dma_semaphore, #tpu.memory_space<semaphore_mem>>)
    %dma_wait3A = arith.constant 0 : i32
    %dma_wait3A_5 = arith.constant 0 : i32
    %dma_wait3A_6 = tpu.memref_slice %arg2[%dma_wait3A, %dma_wait3A_5] : memref<6144x512xf32, #tpu.memory_space<hbm>> -> memref<6144x512xf32, #tpu.memory_space<hbm>>
    tpu.wait_indirect_dma semaphore(%arg9 : memref<!tpu.dma_semaphore, #tpu.memory_space<semaphore_mem>>) src(%dma_wait3A_6 : memref<6144x512xf32, #tpu.memory_space<hbm>>) dst(%arg7 : memref<64x512xf32, #tpu.memory_space<vmem>>)
    "tpu.region"() ({
      %run_scoped3A = tpu.sem_alloc : memref<!tpu.dma_semaphore, #tpu.memory_space<semaphore_mem>>
      %dma_start3A_13 = arith.constant 0 : i32
      %dma_start3A_14 = tpu.memref_slice %arg5[%mul3A_2, %dma_start3A_13] : memref<2048x512xf32, #tpu.memory_space<hbm>> -> memref<64x512xf32, #tpu.memory_space<hbm>>
      %dma_start3A_15 = arith.constant 0 : i32
      %dma_start3A_16 = tpu.memref_slice %arg5[%mul3A_2, %dma_start3A_15] : memref<2048x512xf32, #tpu.memory_space<hbm>> -> memref<64x512xf32, #tpu.memory_space<hbm>>
      tpu.enqueue_dma source(%arg7 : memref<64x512xf32, #tpu.memory_space<vmem>>) target(%dma_start3A_16 : memref<64x512xf32, #tpu.memory_space<hbm>>) target_semaphore(%run_scoped3A : memref<!tpu.dma_semaphore, #tpu.memory_space<semaphore_mem>>)
      %dma_wait3A_17 = arith.constant 0 : i32
      %dma_wait3A_18 = tpu.memref_slice %arg5[%mul3A_2, %dma_wait3A_17] : memref<2048x512xf32, #tpu.memory_space<hbm>> -> memref<64x512xf32, #tpu.memory_space<hbm>>
      %dma_wait3A_19 = arith.constant 0 : i32
      %dma_wait3A_20 = tpu.memref_slice %arg5[%mul3A_2, %dma_wait3A_19] : memref<2048x512xf32, #tpu.memory_space<hbm>> -> memref<64x512xf32, #tpu.memory_space<hbm>>
      tpu.wait_dma2 semaphore(%run_scoped3A : memref<!tpu.dma_semaphore, #tpu.memory_space<semaphore_mem>>) src(%arg7 : memref<64x512xf32, #tpu.memory_space<vmem>>) dst(%dma_wait3A_20 : memref<64x512xf32, #tpu.memory_space<hbm>>)
      tpu.yield
    }) : () -> ()
    "tpu.region"() ({
      %run_scoped3A = tpu.sem_alloc : memref<!tpu.dma_semaphore, #tpu.memory_space<semaphore_mem>>
      %dma_start3A_13 = tpu.memref_slice %arg4[%mul3A_2] : memref<2048xi32, #tpu.memory_space<hbm>> -> memref<64xi32, #tpu.memory_space<hbm>>
      %dma_start3A_14 = tpu.memref_slice %arg4[%mul3A_2] : memref<2048xi32, #tpu.memory_space<hbm>> -> memref<64xi32, #tpu.memory_space<hbm>>
      tpu.enqueue_dma source(%dma_start3A_14 : memref<64xi32, #tpu.memory_space<hbm>>) target(%arg8 : memref<64xi32, #tpu.memory_space<vmem>>) target_semaphore(%run_scoped3A : memref<!tpu.dma_semaphore, #tpu.memory_space<semaphore_mem>>)
      %dma_wait3A_15 = tpu.memref_slice %arg4[%mul3A_2] : memref<2048xi32, #tpu.memory_space<hbm>> -> memref<64xi32, #tpu.memory_space<hbm>>
      %dma_wait3A_16 = tpu.memref_slice %arg4[%mul3A_2] : memref<2048xi32, #tpu.memory_space<hbm>> -> memref<64xi32, #tpu.memory_space<hbm>>
      tpu.wait_dma2 semaphore(%run_scoped3A : memref<!tpu.dma_semaphore, #tpu.memory_space<semaphore_mem>>) src(%dma_wait3A_16 : memref<64xi32, #tpu.memory_space<hbm>>) dst(%arg8 : memref<64xi32, #tpu.memory_space<vmem>>)
      tpu.yield
    }) : () -> ()
    %dma_start3A_7 = arith.constant 0 : i32
    %dma_start3A_8 = arith.constant 0 : i32
    %dma_start3A_9 = tpu.memref_slice %arg2[%dma_start3A_7, %dma_start3A_8] : memref<6144x512xf32, #tpu.memory_space<hbm>> -> memref<6144x512xf32, #tpu.memory_space<hbm>>
    tpu.enqueue_indirect_dma source(%dma_start3A_9 : memref<6144x512xf32, #tpu.memory_space<hbm>>) target(%arg7 : memref<64x512xf32, #tpu.memory_space<vmem>>) offsets(%arg8 : memref<64xi32, #tpu.memory_space<vmem>>) semaphore(%arg9 : memref<!tpu.dma_semaphore, #tpu.memory_space<semaphore_mem>>)
    %dma_wait3A_10 = arith.constant 0 : i32
    %dma_wait3A_11 = arith.constant 0 : i32
    %dma_wait3A_12 = tpu.memref_slice %arg2[%dma_wait3A_10, %dma_wait3A_11] : memref<6144x512xf32, #tpu.memory_space<hbm>> -> memref<6144x512xf32, #tpu.memory_space<hbm>>
    tpu.wait_indirect_dma semaphore(%arg9 : memref<!tpu.dma_semaphore, #tpu.memory_space<semaphore_mem>>) src(%dma_wait3A_12 : memref<6144x512xf32, #tpu.memory_space<hbm>>) dst(%arg7 : memref<64x512xf32, #tpu.memory_space<vmem>>)
    "tpu.region"() ({
      %run_scoped3A = tpu.sem_alloc : memref<!tpu.dma_semaphore, #tpu.memory_space<semaphore_mem>>
      %dma_start3A_13 = arith.constant 0 : i32
      %dma_start3A_14 = tpu.memref_slice %arg6[%mul3A_2, %dma_start3A_13] : memref<2048x512xf32, #tpu.memory_space<hbm>> -> memref<64x512xf32, #tpu.memory_space<hbm>>
      %dma_start3A_15 = arith.constant 0 : i32
      %dma_start3A_16 = tpu.memref_slice %arg6[%mul3A_2, %dma_start3A_15] : memref<2048x512xf32, #tpu.memory_space<hbm>> -> memref<64x512xf32, #tpu.memory_space<hbm>>
      tpu.enqueue_dma source(%arg7 : memref<64x512xf32, #tpu.memory_space<vmem>>) target(%dma_start3A_16 : memref<64x512xf32, #tpu.memory_space<hbm>>) target_semaphore(%run_scoped3A : memref<!tpu.dma_semaphore, #tpu.memory_space<semaphore_mem>>)
      %dma_wait3A_17 = arith.constant 0 : i32
      %dma_wait3A_18 = tpu.memref_slice %arg6[%mul3A_2, %dma_wait3A_17] : memref<2048x512xf32, #tpu.memory_space<hbm>> -> memref<64x512xf32, #tpu.memory_space<hbm>>
      %dma_wait3A_19 = arith.constant 0 : i32
      %dma_wait3A_20 = tpu.memref_slice %arg6[%mul3A_2, %dma_wait3A_19] : memref<2048x512xf32, #tpu.memory_space<hbm>> -> memref<64x512xf32, #tpu.memory_space<hbm>>
      tpu.wait_dma2 semaphore(%run_scoped3A : memref<!tpu.dma_semaphore, #tpu.memory_space<semaphore_mem>>) src(%arg7 : memref<64x512xf32, #tpu.memory_space<vmem>>) dst(%dma_wait3A_20 : memref<64x512xf32, #tpu.memory_space<hbm>>)
      tpu.yield
    }) : () -> ()
    return
  }
}

#map = affine_map<(d0, d1) -> (0, 0)>
#map1 = affine_map<(d0, d1) -> (0)>
module attributes {stable_mosaic.version = 14 : i64} {
  func.func @body(%arg0: i32, %arg1: i32, %arg2: memref<2048x512xf32, #tpu.memory_space<hbm>>, %arg3: memref<4096x128xf32, #tpu.memory_space<hbm>>, %arg4: memref<2048xi32, #tpu.memory_space<hbm>>, %arg5: memref<2048xi32, #tpu.memory_space<hbm>>, %arg6: memref<4096xi32, #tpu.memory_space<hbm>>, %arg7: memref<6144x512xf32, #tpu.memory_space<hbm>>, %arg8: memref<6144x128xf32, #tpu.memory_space<hbm>>, %arg9: memref<64x512xf32, #tpu.memory_space<vmem>>, %arg10: memref<128x128xf32, #tpu.memory_space<vmem>>, %arg11: memref<64xi32, #tpu.memory_space<vmem>>, %arg12: memref<64xi32, #tpu.memory_space<vmem>>, %arg13: memref<128xi32, #tpu.memory_space<vmem>>, %arg14: memref<!tpu.dma_semaphore, #tpu.memory_space<semaphore_mem>>) attributes {dimension_semantics = [#tpu.dimension_semantics<core_parallel>, #tpu.dimension_semantics<subcore_parallel>], iteration_bounds = array<i64: 2, 16>, scalar_prefetch = 0 : i64, scratch_operands = 6 : i64, tpu.core_type = #tpu.core_type<sc_vector_subcore>, window_params = [{transform_indices = #map}, {transform_indices = #map}, {transform_indices = #map1}, {transform_indices = #map1}, {transform_indices = #map1}, {transform_indices = #map}, {transform_indices = #map}]} {
    %mul3A = arith.constant 2 : i32
    %mul3A_0 = arith.muli %arg1, %mul3A : i32
    %add3A = arith.addi %mul3A_0, %arg0 : i32
    %mul3A_1 = arith.constant 64 : i32
    %mul3A_2 = arith.muli %add3A, %mul3A_1 : i32
    %mul3A_3 = arith.constant 128 : i32
    %mul3A_4 = arith.muli %add3A, %mul3A_3 : i32
    "tpu.region"() ({
      %run_scoped3A = tpu.sem_alloc : memref<!tpu.dma_semaphore, #tpu.memory_space<semaphore_mem>>
      %dma_start3A_21 = arith.constant 0 : i32
      %dma_start3A_22 = tpu.memref_slice %arg2[%mul3A_2, %dma_start3A_21] : memref<2048x512xf32, #tpu.memory_space<hbm>> -> memref<64x512xf32, #tpu.memory_space<hbm>>
      %dma_start3A_23 = arith.constant 0 : i32
      %dma_start3A_24 = tpu.memref_slice %arg2[%mul3A_2, %dma_start3A_23] : memref<2048x512xf32, #tpu.memory_space<hbm>> -> memref<64x512xf32, #tpu.memory_space<hbm>>
      tpu.enqueue_dma source(%dma_start3A_24 : memref<64x512xf32, #tpu.memory_space<hbm>>) target(%arg9 : memref<64x512xf32, #tpu.memory_space<vmem>>) target_semaphore(%run_scoped3A : memref<!tpu.dma_semaphore, #tpu.memory_space<semaphore_mem>>)
      %dma_wait3A_25 = arith.constant 0 : i32
      %dma_wait3A_26 = tpu.memref_slice %arg2[%mul3A_2, %dma_wait3A_25] : memref<2048x512xf32, #tpu.memory_space<hbm>> -> memref<64x512xf32, #tpu.memory_space<hbm>>
      %dma_wait3A_27 = arith.constant 0 : i32
      %dma_wait3A_28 = tpu.memref_slice %arg2[%mul3A_2, %dma_wait3A_27] : memref<2048x512xf32, #tpu.memory_space<hbm>> -> memref<64x512xf32, #tpu.memory_space<hbm>>
      tpu.wait_dma2 semaphore(%run_scoped3A : memref<!tpu.dma_semaphore, #tpu.memory_space<semaphore_mem>>) src(%dma_wait3A_28 : memref<64x512xf32, #tpu.memory_space<hbm>>) dst(%arg9 : memref<64x512xf32, #tpu.memory_space<vmem>>)
      tpu.yield
    }) : () -> ()
    "tpu.region"() ({
      %run_scoped3A = tpu.sem_alloc : memref<!tpu.dma_semaphore, #tpu.memory_space<semaphore_mem>>
      %dma_start3A_21 = tpu.memref_slice %arg4[%mul3A_2] : memref<2048xi32, #tpu.memory_space<hbm>> -> memref<64xi32, #tpu.memory_space<hbm>>
      %dma_start3A_22 = tpu.memref_slice %arg4[%mul3A_2] : memref<2048xi32, #tpu.memory_space<hbm>> -> memref<64xi32, #tpu.memory_space<hbm>>
      tpu.enqueue_dma source(%dma_start3A_22 : memref<64xi32, #tpu.memory_space<hbm>>) target(%arg11 : memref<64xi32, #tpu.memory_space<vmem>>) target_semaphore(%run_scoped3A : memref<!tpu.dma_semaphore, #tpu.memory_space<semaphore_mem>>)
      %dma_wait3A_23 = tpu.memref_slice %arg4[%mul3A_2] : memref<2048xi32, #tpu.memory_space<hbm>> -> memref<64xi32, #tpu.memory_space<hbm>>
      %dma_wait3A_24 = tpu.memref_slice %arg4[%mul3A_2] : memref<2048xi32, #tpu.memory_space<hbm>> -> memref<64xi32, #tpu.memory_space<hbm>>
      tpu.wait_dma2 semaphore(%run_scoped3A : memref<!tpu.dma_semaphore, #tpu.memory_space<semaphore_mem>>) src(%dma_wait3A_24 : memref<64xi32, #tpu.memory_space<hbm>>) dst(%arg11 : memref<64xi32, #tpu.memory_space<vmem>>)
      tpu.yield
    }) : () -> ()
    "tpu.region"() ({
      %run_scoped3A = tpu.sem_alloc : memref<!tpu.dma_semaphore, #tpu.memory_space<semaphore_mem>>
      %dma_start3A_21 = tpu.memref_slice %arg5[%mul3A_2] : memref<2048xi32, #tpu.memory_space<hbm>> -> memref<64xi32, #tpu.memory_space<hbm>>
      %dma_start3A_22 = tpu.memref_slice %arg5[%mul3A_2] : memref<2048xi32, #tpu.memory_space<hbm>> -> memref<64xi32, #tpu.memory_space<hbm>>
      tpu.enqueue_dma source(%dma_start3A_22 : memref<64xi32, #tpu.memory_space<hbm>>) target(%arg12 : memref<64xi32, #tpu.memory_space<vmem>>) target_semaphore(%run_scoped3A : memref<!tpu.dma_semaphore, #tpu.memory_space<semaphore_mem>>)
      %dma_wait3A_23 = tpu.memref_slice %arg5[%mul3A_2] : memref<2048xi32, #tpu.memory_space<hbm>> -> memref<64xi32, #tpu.memory_space<hbm>>
      %dma_wait3A_24 = tpu.memref_slice %arg5[%mul3A_2] : memref<2048xi32, #tpu.memory_space<hbm>> -> memref<64xi32, #tpu.memory_space<hbm>>
      tpu.wait_dma2 semaphore(%run_scoped3A : memref<!tpu.dma_semaphore, #tpu.memory_space<semaphore_mem>>) src(%dma_wait3A_24 : memref<64xi32, #tpu.memory_space<hbm>>) dst(%arg12 : memref<64xi32, #tpu.memory_space<vmem>>)
      tpu.yield
    }) : () -> ()
    %dma_start3A = arith.constant 0 : i32
    %dma_start3A_5 = arith.constant 0 : i32
    %dma_start3A_6 = tpu.memref_slice %arg7[%dma_start3A, %dma_start3A_5] : memref<6144x512xf32, #tpu.memory_space<hbm>> -> memref<6144x512xf32, #tpu.memory_space<hbm>>
    tpu.enqueue_indirect_dma source(%arg9 : memref<64x512xf32, #tpu.memory_space<vmem>>) target(%dma_start3A_6 : memref<6144x512xf32, #tpu.memory_space<hbm>>) offsets(%arg11 : memref<64xi32, #tpu.memory_space<vmem>>) semaphore(%arg14 : memref<!tpu.dma_semaphore, #tpu.memory_space<semaphore_mem>>)
    %dma_wait3A = arith.constant 0 : i32
    %dma_wait3A_7 = arith.constant 0 : i32
    %dma_wait3A_8 = tpu.memref_slice %arg7[%dma_wait3A, %dma_wait3A_7] : memref<6144x512xf32, #tpu.memory_space<hbm>> -> memref<6144x512xf32, #tpu.memory_space<hbm>>
    tpu.wait_indirect_dma semaphore(%arg14 : memref<!tpu.dma_semaphore, #tpu.memory_space<semaphore_mem>>) src(%arg9 : memref<64x512xf32, #tpu.memory_space<vmem>>) dst(%dma_wait3A_8 : memref<6144x512xf32, #tpu.memory_space<hbm>>)
    %dma_start3A_9 = arith.constant 0 : i32
    %dma_start3A_10 = arith.constant 0 : i32
    %dma_start3A_11 = tpu.memref_slice %arg7[%dma_start3A_9, %dma_start3A_10] : memref<6144x512xf32, #tpu.memory_space<hbm>> -> memref<6144x512xf32, #tpu.memory_space<hbm>>
    tpu.enqueue_indirect_dma source(%arg9 : memref<64x512xf32, #tpu.memory_space<vmem>>) target(%dma_start3A_11 : memref<6144x512xf32, #tpu.memory_space<hbm>>) offsets(%arg12 : memref<64xi32, #tpu.memory_space<vmem>>) semaphore(%arg14 : memref<!tpu.dma_semaphore, #tpu.memory_space<semaphore_mem>>)
    %dma_wait3A_12 = arith.constant 0 : i32
    %dma_wait3A_13 = arith.constant 0 : i32
    %dma_wait3A_14 = tpu.memref_slice %arg7[%dma_wait3A_12, %dma_wait3A_13] : memref<6144x512xf32, #tpu.memory_space<hbm>> -> memref<6144x512xf32, #tpu.memory_space<hbm>>
    tpu.wait_indirect_dma semaphore(%arg14 : memref<!tpu.dma_semaphore, #tpu.memory_space<semaphore_mem>>) src(%arg9 : memref<64x512xf32, #tpu.memory_space<vmem>>) dst(%dma_wait3A_14 : memref<6144x512xf32, #tpu.memory_space<hbm>>)
    "tpu.region"() ({
      %run_scoped3A = tpu.sem_alloc : memref<!tpu.dma_semaphore, #tpu.memory_space<semaphore_mem>>
      %dma_start3A_21 = arith.constant 0 : i32
      %dma_start3A_22 = tpu.memref_slice %arg3[%mul3A_4, %dma_start3A_21] : memref<4096x128xf32, #tpu.memory_space<hbm>> -> memref<128x128xf32, #tpu.memory_space<hbm>>
      %dma_start3A_23 = arith.constant 0 : i32
      %dma_start3A_24 = tpu.memref_slice %arg3[%mul3A_4, %dma_start3A_23] : memref<4096x128xf32, #tpu.memory_space<hbm>> -> memref<128x128xf32, #tpu.memory_space<hbm>>
      tpu.enqueue_dma source(%dma_start3A_24 : memref<128x128xf32, #tpu.memory_space<hbm>>) target(%arg10 : memref<128x128xf32, #tpu.memory_space<vmem>>) target_semaphore(%run_scoped3A : memref<!tpu.dma_semaphore, #tpu.memory_space<semaphore_mem>>)
      %dma_wait3A_25 = arith.constant 0 : i32
      %dma_wait3A_26 = tpu.memref_slice %arg3[%mul3A_4, %dma_wait3A_25] : memref<4096x128xf32, #tpu.memory_space<hbm>> -> memref<128x128xf32, #tpu.memory_space<hbm>>
      %dma_wait3A_27 = arith.constant 0 : i32
      %dma_wait3A_28 = tpu.memref_slice %arg3[%mul3A_4, %dma_wait3A_27] : memref<4096x128xf32, #tpu.memory_space<hbm>> -> memref<128x128xf32, #tpu.memory_space<hbm>>
      tpu.wait_dma2 semaphore(%run_scoped3A : memref<!tpu.dma_semaphore, #tpu.memory_space<semaphore_mem>>) src(%dma_wait3A_28 : memref<128x128xf32, #tpu.memory_space<hbm>>) dst(%arg10 : memref<128x128xf32, #tpu.memory_space<vmem>>)
      tpu.yield
    }) : () -> ()
    "tpu.region"() ({
      %run_scoped3A = tpu.sem_alloc : memref<!tpu.dma_semaphore, #tpu.memory_space<semaphore_mem>>
      %dma_start3A_21 = tpu.memref_slice %arg6[%mul3A_4] : memref<4096xi32, #tpu.memory_space<hbm>> -> memref<128xi32, #tpu.memory_space<hbm>>
      %dma_start3A_22 = tpu.memref_slice %arg6[%mul3A_4] : memref<4096xi32, #tpu.memory_space<hbm>> -> memref<128xi32, #tpu.memory_space<hbm>>
      tpu.enqueue_dma source(%dma_start3A_22 : memref<128xi32, #tpu.memory_space<hbm>>) target(%arg13 : memref<128xi32, #tpu.memory_space<vmem>>) target_semaphore(%run_scoped3A : memref<!tpu.dma_semaphore, #tpu.memory_space<semaphore_mem>>)
      %dma_wait3A_23 = tpu.memref_slice %arg6[%mul3A_4] : memref<4096xi32, #tpu.memory_space<hbm>> -> memref<128xi32, #tpu.memory_space<hbm>>
      %dma_wait3A_24 = tpu.memref_slice %arg6[%mul3A_4] : memref<4096xi32, #tpu.memory_space<hbm>> -> memref<128xi32, #tpu.memory_space<hbm>>
      tpu.wait_dma2 semaphore(%run_scoped3A : memref<!tpu.dma_semaphore, #tpu.memory_space<semaphore_mem>>) src(%dma_wait3A_24 : memref<128xi32, #tpu.memory_space<hbm>>) dst(%arg13 : memref<128xi32, #tpu.memory_space<vmem>>)
      tpu.yield
    }) : () -> ()
    %dma_start3A_15 = arith.constant 0 : i32
    %dma_start3A_16 = arith.constant 0 : i32
    %dma_start3A_17 = tpu.memref_slice %arg8[%dma_start3A_15, %dma_start3A_16] : memref<6144x128xf32, #tpu.memory_space<hbm>> -> memref<6144x128xf32, #tpu.memory_space<hbm>>
    tpu.enqueue_indirect_dma source(%arg10 : memref<128x128xf32, #tpu.memory_space<vmem>>) target(%dma_start3A_17 : memref<6144x128xf32, #tpu.memory_space<hbm>>) offsets(%arg13 : memref<128xi32, #tpu.memory_space<vmem>>) semaphore(%arg14 : memref<!tpu.dma_semaphore, #tpu.memory_space<semaphore_mem>>)
    %dma_wait3A_18 = arith.constant 0 : i32
    %dma_wait3A_19 = arith.constant 0 : i32
    %dma_wait3A_20 = tpu.memref_slice %arg8[%dma_wait3A_18, %dma_wait3A_19] : memref<6144x128xf32, #tpu.memory_space<hbm>> -> memref<6144x128xf32, #tpu.memory_space<hbm>>
    tpu.wait_indirect_dma semaphore(%arg14 : memref<!tpu.dma_semaphore, #tpu.memory_space<semaphore_mem>>) src(%arg10 : memref<128x128xf32, #tpu.memory_space<vmem>>) dst(%dma_wait3A_20 : memref<6144x128xf32, #tpu.memory_space<hbm>>)
    return
  }
}

module attributes {stable_mosaic.version = 14 : i64} {
  func.func @_mlp_body(%arg0: i32, %arg1: memref<24xi32, #tpu.memory_space<smem>>, %arg2: memref<1xi32, #tpu.memory_space<smem>>, %arg3: memref<24xi32, #tpu.memory_space<smem>>, %arg4: memref<8xi32, #tpu.memory_space<smem>>, %arg5: memref<1xi32, #tpu.memory_space<smem>>, %arg6: memref<256x512xf32, #tpu.memory_space<vmem>>, %arg7: memref<8x2048x1024xf32, #tpu.memory_space<any>>, %arg8: memref<8x1024x1024xf32, #tpu.memory_space<any>>, %arg9: memref<256x128xf32, #tpu.memory_space<vmem>>, %arg10: memref<256x512xf32, #tpu.memory_space<vmem>>, %arg11: memref<2x2048x1024xf32, #tpu.memory_space<vmem>>, %arg12: memref<2x1024x1024xf32, #tpu.memory_space<vmem>>, %arg13: memref<2x!tpu.dma_semaphore, #tpu.memory_space<semaphore_mem>>, %arg14: memref<2x!tpu.dma_semaphore, #tpu.memory_space<semaphore_mem>>, %arg15: memref<2x!tpu.dma_semaphore, #tpu.memory_space<semaphore_mem>>) attributes {dimension_semantics = [#tpu.dimension_semantics<arbitrary>], iteration_bounds = array<i64: 24>, scalar_prefetch = 5 : i64, scratch_operands = 5 : i64, tpu.core_type = #tpu.core_type<tc>, window_params = [{transform_indices = @transform_0, window_bounds = array<i64: 256, 512>}, {}, {}, {transform_indices = @transform_3, window_bounds = array<i64: 256, 128>}, {transform_indices = @transform_4, window_bounds = array<i64: 256, 512>}]} {
    %get3A = arith.constant 0 : index
    %get3A_0 = memref.load %arg2[%get3A] : memref<1xi32, #tpu.memory_space<smem>>
    %lt3A = arith.cmpi slt, %arg0, %get3A_0 : i32
    %get3A_1 = arith.index_cast %arg0 : i32 to index
    %get3A_2 = memref.load %arg3[%get3A_1] : memref<24xi32, #tpu.memory_space<smem>>
    %eq3A = arith.constant 0 : i32
    %eq3A_3 = arith.cmpi eq, %arg0, %eq3A : i32
    %get3A_4 = arith.index_cast %arg0 : i32 to index
    %get3A_5 = memref.load %arg1[%get3A_4] : memref<24xi32, #tpu.memory_space<smem>>
    %sub3A = arith.constant 1 : i32
    %sub3A_6 = arith.subi %arg0, %sub3A : i32
    %max3A = arith.constant 0 : i32
    %max3A_7 = arith.maxsi %sub3A_6, %max3A : i32
    %get3A_8 = arith.index_cast %max3A_7 : i32 to index
    %get3A_9 = memref.load %arg1[%get3A_8] : memref<24xi32, #tpu.memory_space<smem>>
    %ne3A = arith.cmpi ne, %get3A_5, %get3A_9 : i32
    %or3A = arith.ori %eq3A_3, %ne3A : i1
    %eq3A_10 = arith.constant 0 : i32
    %eq3A_11 = arith.cmpi eq, %arg0, %eq3A_10 : i32
    %convert_element_type3A = arith.extui %eq3A_11 : i1 to i32
    %cond3A = arith.constant 0 : i32
    %cond3A_12 = arith.cmpi ne, %convert_element_type3A, %cond3A : i32
    scf.if %cond3A_12 {
      %rem3A = arith.constant 0 : i32
      %rem3A_19 = arith.constant 2 : i32
      %rem3A_20 = arith.remsi %rem3A, %rem3A_19 : i32
      %get3A_21 = arith.constant 0 : index
      %get3A_22 = memref.load %arg4[%get3A_21] : memref<8xi32, #tpu.memory_space<smem>>
      %dma_start3A = tpu.memref_slice %arg13[%rem3A_20] : memref<2x!tpu.dma_semaphore, #tpu.memory_space<semaphore_mem>> -> memref<1x!tpu.dma_semaphore, #tpu.memory_space<semaphore_mem>>
      %dma_start3A_23 = tpu.memref_squeeze %dma_start3A : memref<1x!tpu.dma_semaphore, #tpu.memory_space<semaphore_mem>> -> memref<!tpu.dma_semaphore, #tpu.memory_space<semaphore_mem>>
      %dma_start3A_24 = arith.constant 0 : i32
      %dma_start3A_25 = arith.constant 0 : i32
      %dma_start3A_26 = tpu.memref_slice %arg11[%rem3A_20, %dma_start3A_24, %dma_start3A_25] : memref<2x2048x1024xf32, #tpu.memory_space<vmem>> -> memref<1x1024x1024xf32, #tpu.memory_space<vmem>>
      %dma_start3A_27 = tpu.memref_squeeze %dma_start3A_26 : memref<1x1024x1024xf32, #tpu.memory_space<vmem>> -> memref<1024x1024xf32, #tpu.memory_space<vmem>>
      %dma_start3A_28 = arith.constant 0 : i32
      %dma_start3A_29 = arith.constant 0 : i32
      %dma_start3A_30 = tpu.memref_slice %arg7[%get3A_22, %dma_start3A_28, %dma_start3A_29] : memref<8x2048x1024xf32, #tpu.memory_space<any>> -> memref<1x1024x1024xf32, #tpu.memory_space<any>>
      %dma_start3A_31 = tpu.memref_squeeze %dma_start3A_30 : memref<1x1024x1024xf32, #tpu.memory_space<any>> -> memref<1024x1024xf32, #tpu.memory_space<any>>
      tpu.enqueue_dma source(%dma_start3A_31 : memref<1024x1024xf32, #tpu.memory_space<any>>) target(%dma_start3A_27 : memref<1024x1024xf32, #tpu.memory_space<vmem>>) target_semaphore(%dma_start3A_23 : memref<!tpu.dma_semaphore, #tpu.memory_space<semaphore_mem>>)
      %dma_start3A_32 = tpu.memref_slice %arg14[%rem3A_20] : memref<2x!tpu.dma_semaphore, #tpu.memory_space<semaphore_mem>> -> memref<1x!tpu.dma_semaphore, #tpu.memory_space<semaphore_mem>>
      %dma_start3A_33 = tpu.memref_squeeze %dma_start3A_32 : memref<1x!tpu.dma_semaphore, #tpu.memory_space<semaphore_mem>> -> memref<!tpu.dma_semaphore, #tpu.memory_space<semaphore_mem>>
      %dma_start3A_34 = arith.constant 1024 : i32
      %dma_start3A_35 = arith.constant 0 : i32
      %dma_start3A_36 = tpu.memref_slice %arg11[%rem3A_20, %dma_start3A_34, %dma_start3A_35] : memref<2x2048x1024xf32, #tpu.memory_space<vmem>> -> memref<1x1024x1024xf32, #tpu.memory_space<vmem>>
      %dma_start3A_37 = tpu.memref_squeeze %dma_start3A_36 : memref<1x1024x1024xf32, #tpu.memory_space<vmem>> -> memref<1024x1024xf32, #tpu.memory_space<vmem>>
      %dma_start3A_38 = arith.constant 1024 : i32
      %dma_start3A_39 = arith.constant 0 : i32
      %dma_start3A_40 = tpu.memref_slice %arg7[%get3A_22, %dma_start3A_38, %dma_start3A_39] : memref<8x2048x1024xf32, #tpu.memory_space<any>> -> memref<1x1024x1024xf32, #tpu.memory_space<any>>
      %dma_start3A_41 = tpu.memref_squeeze %dma_start3A_40 : memref<1x1024x1024xf32, #tpu.memory_space<any>> -> memref<1024x1024xf32, #tpu.memory_space<any>>
      tpu.enqueue_dma source(%dma_start3A_41 : memref<1024x1024xf32, #tpu.memory_space<any>>) target(%dma_start3A_37 : memref<1024x1024xf32, #tpu.memory_space<vmem>>) target_semaphore(%dma_start3A_33 : memref<!tpu.dma_semaphore, #tpu.memory_space<semaphore_mem>>)
      %dma_start3A_42 = tpu.memref_slice %arg15[%rem3A_20] : memref<2x!tpu.dma_semaphore, #tpu.memory_space<semaphore_mem>> -> memref<1x!tpu.dma_semaphore, #tpu.memory_space<semaphore_mem>>
      %dma_start3A_43 = tpu.memref_squeeze %dma_start3A_42 : memref<1x!tpu.dma_semaphore, #tpu.memory_space<semaphore_mem>> -> memref<!tpu.dma_semaphore, #tpu.memory_space<semaphore_mem>>
      %dma_start3A_44 = arith.constant 0 : i32
      %dma_start3A_45 = arith.constant 0 : i32
      %dma_start3A_46 = tpu.memref_slice %arg12[%rem3A_20, %dma_start3A_44, %dma_start3A_45] : memref<2x1024x1024xf32, #tpu.memory_space<vmem>> -> memref<1x1024x1024xf32, #tpu.memory_space<vmem>>
      %dma_start3A_47 = tpu.memref_squeeze %dma_start3A_46 : memref<1x1024x1024xf32, #tpu.memory_space<vmem>> -> memref<1024x1024xf32, #tpu.memory_space<vmem>>
      %dma_start3A_48 = arith.constant 0 : i32
      %dma_start3A_49 = arith.constant 0 : i32
      %dma_start3A_50 = tpu.memref_slice %arg8[%get3A_22, %dma_start3A_48, %dma_start3A_49] : memref<8x1024x1024xf32, #tpu.memory_space<any>> -> memref<1x1024x1024xf32, #tpu.memory_space<any>>
      %dma_start3A_51 = tpu.memref_squeeze %dma_start3A_50 : memref<1x1024x1024xf32, #tpu.memory_space<any>> -> memref<1024x1024xf32, #tpu.memory_space<any>>
      tpu.enqueue_dma source(%dma_start3A_51 : memref<1024x1024xf32, #tpu.memory_space<any>>) target(%dma_start3A_47 : memref<1024x1024xf32, #tpu.memory_space<vmem>>) target_semaphore(%dma_start3A_43 : memref<!tpu.dma_semaphore, #tpu.memory_space<semaphore_mem>>)
      %get3A_52 = arith.constant 0 : index
      %get3A_53 = memref.load %arg5[%get3A_52] : memref<1xi32, #tpu.memory_space<smem>>
      %gt3A = arith.constant 1 : i32
      %gt3A_54 = arith.cmpi sgt, %get3A_53, %gt3A : i32
      %convert_element_type3A_55 = arith.extui %gt3A_54 : i1 to i32
      %cond3A_56 = arith.constant 0 : i32
      %cond3A_57 = arith.cmpi ne, %convert_element_type3A_55, %cond3A_56 : i32
      scf.if %cond3A_57 {
        %rem3A_58 = arith.constant 1 : i32
        %rem3A_59 = arith.constant 2 : i32
        %rem3A_60 = arith.remsi %rem3A_58, %rem3A_59 : i32
        %get3A_61 = arith.constant 1 : index
        %get3A_62 = memref.load %arg4[%get3A_61] : memref<8xi32, #tpu.memory_space<smem>>
        %dma_start3A_63 = tpu.memref_slice %arg13[%rem3A_60] : memref<2x!tpu.dma_semaphore, #tpu.memory_space<semaphore_mem>> -> memref<1x!tpu.dma_semaphore, #tpu.memory_space<semaphore_mem>>
        %dma_start3A_64 = tpu.memref_squeeze %dma_start3A_63 : memref<1x!tpu.dma_semaphore, #tpu.memory_space<semaphore_mem>> -> memref<!tpu.dma_semaphore, #tpu.memory_space<semaphore_mem>>
        %dma_start3A_65 = arith.constant 0 : i32
        %dma_start3A_66 = arith.constant 0 : i32
        %dma_start3A_67 = tpu.memref_slice %arg11[%rem3A_60, %dma_start3A_65, %dma_start3A_66] : memref<2x2048x1024xf32, #tpu.memory_space<vmem>> -> memref<1x1024x1024xf32, #tpu.memory_space<vmem>>
        %dma_start3A_68 = tpu.memref_squeeze %dma_start3A_67 : memref<1x1024x1024xf32, #tpu.memory_space<vmem>> -> memref<1024x1024xf32, #tpu.memory_space<vmem>>
        %dma_start3A_69 = arith.constant 0 : i32
        %dma_start3A_70 = arith.constant 0 : i32
        %dma_start3A_71 = tpu.memref_slice %arg7[%get3A_62, %dma_start3A_69, %dma_start3A_70] : memref<8x2048x1024xf32, #tpu.memory_space<any>> -> memref<1x1024x1024xf32, #tpu.memory_space<any>>
        %dma_start3A_72 = tpu.memref_squeeze %dma_start3A_71 : memref<1x1024x1024xf32, #tpu.memory_space<any>> -> memref<1024x1024xf32, #tpu.memory_space<any>>
        tpu.enqueue_dma source(%dma_start3A_72 : memref<1024x1024xf32, #tpu.memory_space<any>>) target(%dma_start3A_68 : memref<1024x1024xf32, #tpu.memory_space<vmem>>) target_semaphore(%dma_start3A_64 : memref<!tpu.dma_semaphore, #tpu.memory_space<semaphore_mem>>)
        %dma_start3A_73 = tpu.memref_slice %arg14[%rem3A_60] : memref<2x!tpu.dma_semaphore, #tpu.memory_space<semaphore_mem>> -> memref<1x!tpu.dma_semaphore, #tpu.memory_space<semaphore_mem>>
        %dma_start3A_74 = tpu.memref_squeeze %dma_start3A_73 : memref<1x!tpu.dma_semaphore, #tpu.memory_space<semaphore_mem>> -> memref<!tpu.dma_semaphore, #tpu.memory_space<semaphore_mem>>
        %dma_start3A_75 = arith.constant 1024 : i32
        %dma_start3A_76 = arith.constant 0 : i32
        %dma_start3A_77 = tpu.memref_slice %arg11[%rem3A_60, %dma_start3A_75, %dma_start3A_76] : memref<2x2048x1024xf32, #tpu.memory_space<vmem>> -> memref<1x1024x1024xf32, #tpu.memory_space<vmem>>
        %dma_start3A_78 = tpu.memref_squeeze %dma_start3A_77 : memref<1x1024x1024xf32, #tpu.memory_space<vmem>> -> memref<1024x1024xf32, #tpu.memory_space<vmem>>
        %dma_start3A_79 = arith.constant 1024 : i32
        %dma_start3A_80 = arith.constant 0 : i32
        %dma_start3A_81 = tpu.memref_slice %arg7[%get3A_62, %dma_start3A_79, %dma_start3A_80] : memref<8x2048x1024xf32, #tpu.memory_space<any>> -> memref<1x1024x1024xf32, #tpu.memory_space<any>>
        %dma_start3A_82 = tpu.memref_squeeze %dma_start3A_81 : memref<1x1024x1024xf32, #tpu.memory_space<any>> -> memref<1024x1024xf32, #tpu.memory_space<any>>
        tpu.enqueue_dma source(%dma_start3A_82 : memref<1024x1024xf32, #tpu.memory_space<any>>) target(%dma_start3A_78 : memref<1024x1024xf32, #tpu.memory_space<vmem>>) target_semaphore(%dma_start3A_74 : memref<!tpu.dma_semaphore, #tpu.memory_space<semaphore_mem>>)
        %dma_start3A_83 = tpu.memref_slice %arg15[%rem3A_60] : memref<2x!tpu.dma_semaphore, #tpu.memory_space<semaphore_mem>> -> memref<1x!tpu.dma_semaphore, #tpu.memory_space<semaphore_mem>>
        %dma_start3A_84 = tpu.memref_squeeze %dma_start3A_83 : memref<1x!tpu.dma_semaphore, #tpu.memory_space<semaphore_mem>> -> memref<!tpu.dma_semaphore, #tpu.memory_space<semaphore_mem>>
        %dma_start3A_85 = arith.constant 0 : i32
        %dma_start3A_86 = arith.constant 0 : i32
        %dma_start3A_87 = tpu.memref_slice %arg12[%rem3A_60, %dma_start3A_85, %dma_start3A_86] : memref<2x1024x1024xf32, #tpu.memory_space<vmem>> -> memref<1x1024x1024xf32, #tpu.memory_space<vmem>>
        %dma_start3A_88 = tpu.memref_squeeze %dma_start3A_87 : memref<1x1024x1024xf32, #tpu.memory_space<vmem>> -> memref<1024x1024xf32, #tpu.memory_space<vmem>>
        %dma_start3A_89 = arith.constant 0 : i32
        %dma_start3A_90 = arith.constant 0 : i32
        %dma_start3A_91 = tpu.memref_slice %arg8[%get3A_62, %dma_start3A_89, %dma_start3A_90] : memref<8x1024x1024xf32, #tpu.memory_space<any>> -> memref<1x1024x1024xf32, #tpu.memory_space<any>>
        %dma_start3A_92 = tpu.memref_squeeze %dma_start3A_91 : memref<1x1024x1024xf32, #tpu.memory_space<any>> -> memref<1024x1024xf32, #tpu.memory_space<any>>
        tpu.enqueue_dma source(%dma_start3A_92 : memref<1024x1024xf32, #tpu.memory_space<any>>) target(%dma_start3A_88 : memref<1024x1024xf32, #tpu.memory_space<vmem>>) target_semaphore(%dma_start3A_84 : memref<!tpu.dma_semaphore, #tpu.memory_space<semaphore_mem>>)
      } else {
      }
    } else {
    }
    %and3A = arith.andi %lt3A, %or3A : i1
    %convert_element_type3A_13 = arith.extui %and3A : i1 to i32
    %cond3A_14 = arith.constant 0 : i32
    %cond3A_15 = arith.cmpi ne, %convert_element_type3A_13, %cond3A_14 : i32
    scf.if %cond3A_15 {
      %rem3A = arith.constant 2 : i32
      %rem3A_19 = arith.remsi %get3A_2, %rem3A : i32
      %get3A_20 = arith.index_cast %get3A_2 : i32 to index
      %get3A_21 = memref.load %arg4[%get3A_20] : memref<8xi32, #tpu.memory_space<smem>>
      %dma_wait3A = tpu.memref_slice %arg13[%rem3A_19] : memref<2x!tpu.dma_semaphore, #tpu.memory_space<semaphore_mem>> -> memref<1x!tpu.dma_semaphore, #tpu.memory_space<semaphore_mem>>
      %dma_wait3A_22 = tpu.memref_squeeze %dma_wait3A : memref<1x!tpu.dma_semaphore, #tpu.memory_space<semaphore_mem>> -> memref<!tpu.dma_semaphore, #tpu.memory_space<semaphore_mem>>
      %dma_wait3A_23 = arith.constant 0 : i32
      %dma_wait3A_24 = arith.constant 0 : i32
      %dma_wait3A_25 = tpu.memref_slice %arg11[%rem3A_19, %dma_wait3A_23, %dma_wait3A_24] : memref<2x2048x1024xf32, #tpu.memory_space<vmem>> -> memref<1x1024x1024xf32, #tpu.memory_space<vmem>>
      %dma_wait3A_26 = tpu.memref_squeeze %dma_wait3A_25 : memref<1x1024x1024xf32, #tpu.memory_space<vmem>> -> memref<1024x1024xf32, #tpu.memory_space<vmem>>
      %dma_wait3A_27 = arith.constant 0 : i32
      %dma_wait3A_28 = arith.constant 0 : i32
      %dma_wait3A_29 = tpu.memref_slice %arg7[%get3A_21, %dma_wait3A_27, %dma_wait3A_28] : memref<8x2048x1024xf32, #tpu.memory_space<any>> -> memref<1x1024x1024xf32, #tpu.memory_space<any>>
      %dma_wait3A_30 = tpu.memref_squeeze %dma_wait3A_29 : memref<1x1024x1024xf32, #tpu.memory_space<any>> -> memref<1024x1024xf32, #tpu.memory_space<any>>
      tpu.wait_dma2 semaphore(%dma_wait3A_22 : memref<!tpu.dma_semaphore, #tpu.memory_space<semaphore_mem>>) src(%dma_wait3A_30 : memref<1024x1024xf32, #tpu.memory_space<any>>) dst(%dma_wait3A_26 : memref<1024x1024xf32, #tpu.memory_space<vmem>>)
      %dma_wait3A_31 = tpu.memref_slice %arg14[%rem3A_19] : memref<2x!tpu.dma_semaphore, #tpu.memory_space<semaphore_mem>> -> memref<1x!tpu.dma_semaphore, #tpu.memory_space<semaphore_mem>>
      %dma_wait3A_32 = tpu.memref_squeeze %dma_wait3A_31 : memref<1x!tpu.dma_semaphore, #tpu.memory_space<semaphore_mem>> -> memref<!tpu.dma_semaphore, #tpu.memory_space<semaphore_mem>>
      %dma_wait3A_33 = arith.constant 1024 : i32
      %dma_wait3A_34 = arith.constant 0 : i32
      %dma_wait3A_35 = tpu.memref_slice %arg11[%rem3A_19, %dma_wait3A_33, %dma_wait3A_34] : memref<2x2048x1024xf32, #tpu.memory_space<vmem>> -> memref<1x1024x1024xf32, #tpu.memory_space<vmem>>
      %dma_wait3A_36 = tpu.memref_squeeze %dma_wait3A_35 : memref<1x1024x1024xf32, #tpu.memory_space<vmem>> -> memref<1024x1024xf32, #tpu.memory_space<vmem>>
      %dma_wait3A_37 = arith.constant 1024 : i32
      %dma_wait3A_38 = arith.constant 0 : i32
      %dma_wait3A_39 = tpu.memref_slice %arg7[%get3A_21, %dma_wait3A_37, %dma_wait3A_38] : memref<8x2048x1024xf32, #tpu.memory_space<any>> -> memref<1x1024x1024xf32, #tpu.memory_space<any>>
      %dma_wait3A_40 = tpu.memref_squeeze %dma_wait3A_39 : memref<1x1024x1024xf32, #tpu.memory_space<any>> -> memref<1024x1024xf32, #tpu.memory_space<any>>
      tpu.wait_dma2 semaphore(%dma_wait3A_32 : memref<!tpu.dma_semaphore, #tpu.memory_space<semaphore_mem>>) src(%dma_wait3A_40 : memref<1024x1024xf32, #tpu.memory_space<any>>) dst(%dma_wait3A_36 : memref<1024x1024xf32, #tpu.memory_space<vmem>>)
      %dma_wait3A_41 = tpu.memref_slice %arg15[%rem3A_19] : memref<2x!tpu.dma_semaphore, #tpu.memory_space<semaphore_mem>> -> memref<1x!tpu.dma_semaphore, #tpu.memory_space<semaphore_mem>>
      %dma_wait3A_42 = tpu.memref_squeeze %dma_wait3A_41 : memref<1x!tpu.dma_semaphore, #tpu.memory_space<semaphore_mem>> -> memref<!tpu.dma_semaphore, #tpu.memory_space<semaphore_mem>>
      %dma_wait3A_43 = arith.constant 0 : i32
      %dma_wait3A_44 = arith.constant 0 : i32
      %dma_wait3A_45 = tpu.memref_slice %arg12[%rem3A_19, %dma_wait3A_43, %dma_wait3A_44] : memref<2x1024x1024xf32, #tpu.memory_space<vmem>> -> memref<1x1024x1024xf32, #tpu.memory_space<vmem>>
      %dma_wait3A_46 = tpu.memref_squeeze %dma_wait3A_45 : memref<1x1024x1024xf32, #tpu.memory_space<vmem>> -> memref<1024x1024xf32, #tpu.memory_space<vmem>>
      %dma_wait3A_47 = arith.constant 0 : i32
      %dma_wait3A_48 = arith.constant 0 : i32
      %dma_wait3A_49 = tpu.memref_slice %arg8[%get3A_21, %dma_wait3A_47, %dma_wait3A_48] : memref<8x1024x1024xf32, #tpu.memory_space<any>> -> memref<1x1024x1024xf32, #tpu.memory_space<any>>
      %dma_wait3A_50 = tpu.memref_squeeze %dma_wait3A_49 : memref<1x1024x1024xf32, #tpu.memory_space<any>> -> memref<1024x1024xf32, #tpu.memory_space<any>>
      tpu.wait_dma2 semaphore(%dma_wait3A_42 : memref<!tpu.dma_semaphore, #tpu.memory_space<semaphore_mem>>) src(%dma_wait3A_50 : memref<1024x1024xf32, #tpu.memory_space<any>>) dst(%dma_wait3A_46 : memref<1024x1024xf32, #tpu.memory_space<vmem>>)
      %ge3A = arith.constant 1 : i32
      %ge3A_51 = arith.cmpi sge, %get3A_2, %ge3A : i32
      %add3A = arith.constant 2 : i32
      %add3A_52 = arith.addi %get3A_2, %add3A : i32
      %sub3A_53 = arith.constant 1 : i32
      %sub3A_54 = arith.subi %add3A_52, %sub3A_53 : i32
      %get3A_55 = arith.constant 0 : index
      %get3A_56 = memref.load %arg5[%get3A_55] : memref<1xi32, #tpu.memory_space<smem>>
      %lt3A_57 = arith.cmpi slt, %sub3A_54, %get3A_56 : i32
      %and3A_58 = arith.andi %ge3A_51, %lt3A_57 : i1
      %convert_element_type3A_59 = arith.extui %and3A_58 : i1 to i32
      %cond3A_60 = arith.constant 0 : i32
      %cond3A_61 = arith.cmpi ne, %convert_element_type3A_59, %cond3A_60 : i32
      scf.if %cond3A_61 {
        %add3A_62 = arith.constant 2 : i32
        %add3A_63 = arith.addi %get3A_2, %add3A_62 : i32
        %sub3A_64 = arith.constant 1 : i32
        %sub3A_65 = arith.subi %add3A_63, %sub3A_64 : i32
        %rem3A_66 = arith.constant 2 : i32
        %rem3A_67 = arith.remsi %sub3A_65, %rem3A_66 : i32
        %get3A_68 = arith.index_cast %sub3A_65 : i32 to index
        %get3A_69 = memref.load %arg4[%get3A_68] : memref<8xi32, #tpu.memory_space<smem>>
        %dma_start3A = tpu.memref_slice %arg13[%rem3A_67] : memref<2x!tpu.dma_semaphore, #tpu.memory_space<semaphore_mem>> -> memref<1x!tpu.dma_semaphore, #tpu.memory_space<semaphore_mem>>
        %dma_start3A_70 = tpu.memref_squeeze %dma_start3A : memref<1x!tpu.dma_semaphore, #tpu.memory_space<semaphore_mem>> -> memref<!tpu.dma_semaphore, #tpu.memory_space<semaphore_mem>>
        %dma_start3A_71 = arith.constant 0 : i32
        %dma_start3A_72 = arith.constant 0 : i32
        %dma_start3A_73 = tpu.memref_slice %arg11[%rem3A_67, %dma_start3A_71, %dma_start3A_72] : memref<2x2048x1024xf32, #tpu.memory_space<vmem>> -> memref<1x1024x1024xf32, #tpu.memory_space<vmem>>
        %dma_start3A_74 = tpu.memref_squeeze %dma_start3A_73 : memref<1x1024x1024xf32, #tpu.memory_space<vmem>> -> memref<1024x1024xf32, #tpu.memory_space<vmem>>
        %dma_start3A_75 = arith.constant 0 : i32
        %dma_start3A_76 = arith.constant 0 : i32
        %dma_start3A_77 = tpu.memref_slice %arg7[%get3A_69, %dma_start3A_75, %dma_start3A_76] : memref<8x2048x1024xf32, #tpu.memory_space<any>> -> memref<1x1024x1024xf32, #tpu.memory_space<any>>
        %dma_start3A_78 = tpu.memref_squeeze %dma_start3A_77 : memref<1x1024x1024xf32, #tpu.memory_space<any>> -> memref<1024x1024xf32, #tpu.memory_space<any>>
        tpu.enqueue_dma source(%dma_start3A_78 : memref<1024x1024xf32, #tpu.memory_space<any>>) target(%dma_start3A_74 : memref<1024x1024xf32, #tpu.memory_space<vmem>>) target_semaphore(%dma_start3A_70 : memref<!tpu.dma_semaphore, #tpu.memory_space<semaphore_mem>>)
        %dma_start3A_79 = tpu.memref_slice %arg14[%rem3A_67] : memref<2x!tpu.dma_semaphore, #tpu.memory_space<semaphore_mem>> -> memref<1x!tpu.dma_semaphore, #tpu.memory_space<semaphore_mem>>
        %dma_start3A_80 = tpu.memref_squeeze %dma_start3A_79 : memref<1x!tpu.dma_semaphore, #tpu.memory_space<semaphore_mem>> -> memref<!tpu.dma_semaphore, #tpu.memory_space<semaphore_mem>>
        %dma_start3A_81 = arith.constant 1024 : i32
        %dma_start3A_82 = arith.constant 0 : i32
        %dma_start3A_83 = tpu.memref_slice %arg11[%rem3A_67, %dma_start3A_81, %dma_start3A_82] : memref<2x2048x1024xf32, #tpu.memory_space<vmem>> -> memref<1x1024x1024xf32, #tpu.memory_space<vmem>>
        %dma_start3A_84 = tpu.memref_squeeze %dma_start3A_83 : memref<1x1024x1024xf32, #tpu.memory_space<vmem>> -> memref<1024x1024xf32, #tpu.memory_space<vmem>>
        %dma_start3A_85 = arith.constant 1024 : i32
        %dma_start3A_86 = arith.constant 0 : i32
        %dma_start3A_87 = tpu.memref_slice %arg7[%get3A_69, %dma_start3A_85, %dma_start3A_86] : memref<8x2048x1024xf32, #tpu.memory_space<any>> -> memref<1x1024x1024xf32, #tpu.memory_space<any>>
        %dma_start3A_88 = tpu.memref_squeeze %dma_start3A_87 : memref<1x1024x1024xf32, #tpu.memory_space<any>> -> memref<1024x1024xf32, #tpu.memory_space<any>>
        tpu.enqueue_dma source(%dma_start3A_88 : memref<1024x1024xf32, #tpu.memory_space<any>>) target(%dma_start3A_84 : memref<1024x1024xf32, #tpu.memory_space<vmem>>) target_semaphore(%dma_start3A_80 : memref<!tpu.dma_semaphore, #tpu.memory_space<semaphore_mem>>)
        %dma_start3A_89 = tpu.memref_slice %arg15[%rem3A_67] : memref<2x!tpu.dma_semaphore, #tpu.memory_space<semaphore_mem>> -> memref<1x!tpu.dma_semaphore, #tpu.memory_space<semaphore_mem>>
        %dma_start3A_90 = tpu.memref_squeeze %dma_start3A_89 : memref<1x!tpu.dma_semaphore, #tpu.memory_space<semaphore_mem>> -> memref<!tpu.dma_semaphore, #tpu.memory_space<semaphore_mem>>
        %dma_start3A_91 = arith.constant 0 : i32
        %dma_start3A_92 = arith.constant 0 : i32
        %dma_start3A_93 = tpu.memref_slice %arg12[%rem3A_67, %dma_start3A_91, %dma_start3A_92] : memref<2x1024x1024xf32, #tpu.memory_space<vmem>> -> memref<1x1024x1024xf32, #tpu.memory_space<vmem>>
        %dma_start3A_94 = tpu.memref_squeeze %dma_start3A_93 : memref<1x1024x1024xf32, #tpu.memory_space<vmem>> -> memref<1024x1024xf32, #tpu.memory_space<vmem>>
        %dma_start3A_95 = arith.constant 0 : i32
        %dma_start3A_96 = arith.constant 0 : i32
        %dma_start3A_97 = tpu.memref_slice %arg8[%get3A_69, %dma_start3A_95, %dma_start3A_96] : memref<8x1024x1024xf32, #tpu.memory_space<any>> -> memref<1x1024x1024xf32, #tpu.memory_space<any>>
        %dma_start3A_98 = tpu.memref_squeeze %dma_start3A_97 : memref<1x1024x1024xf32, #tpu.memory_space<any>> -> memref<1024x1024xf32, #tpu.memory_space<any>>
        tpu.enqueue_dma source(%dma_start3A_98 : memref<1024x1024xf32, #tpu.memory_space<any>>) target(%dma_start3A_94 : memref<1024x1024xf32, #tpu.memory_space<vmem>>) target_semaphore(%dma_start3A_90 : memref<!tpu.dma_semaphore, #tpu.memory_space<semaphore_mem>>)
      } else {
      }
    } else {
    }
    %convert_element_type3A_16 = arith.extui %lt3A : i1 to i32
    %cond3A_17 = arith.constant 0 : i32
    %cond3A_18 = arith.cmpi ne, %convert_element_type3A_16, %cond3A_17 : i32
    scf.if %cond3A_18 {
      %rem3A = arith.constant 2 : i32
      %rem3A_19 = arith.remsi %get3A_2, %rem3A : i32
      %get3A_20 = arith.constant 0 : index
      %get3A_21 = arith.constant 0 : index
      %get3A_22 = vector.load %arg6[%get3A_20, %get3A_21] : memref<256x512xf32, #tpu.memory_space<vmem>>, vector<256x512xf32>
      %bitcast_convert_type3A = tpu.bitcast %get3A_22 : vector<256x512xf32> -> vector<256x512xi32>
      %shift_left3A = arith.constant 16 : i32
      %shift_left3A_23 = vector.broadcast %shift_left3A : i32 to vector<256x512xi32>
      %shift_left3A_24 = arith.shli %bitcast_convert_type3A, %shift_left3A_23 : vector<256x512xi32>
      %bitcast_convert_type3A_25 = tpu.bitcast %shift_left3A_24 : vector<256x512xi32> -> vector<256x512xf32>
      %and3A_26 = arith.constant -65536 : i32
      %and3A_27 = vector.broadcast %and3A_26 : i32 to vector<256x512xi32>
      %and3A_28 = arith.andi %bitcast_convert_type3A, %and3A_27 : vector<256x512xi32>
      %bitcast_convert_type3A_29 = tpu.bitcast %and3A_28 : vector<256x512xi32> -> vector<256x512xf32>
      %concatenate3A = tpu.concatenate %bitcast_convert_type3A_25, %bitcast_convert_type3A_29 in 1 : vector<256x512xf32>, vector<256x512xf32> -> vector<256x1024xf32>
      %get3A_30 = arith.index_cast %rem3A_19 : i32 to index
      %get3A_31 = arith.constant 0 : index
      %get3A_32 = arith.constant 0 : index
      %get3A_33 = vector.load %arg11[%get3A_30, %get3A_31, %get3A_32] : memref<2x2048x1024xf32, #tpu.memory_space<vmem>>, vector<1x2048x1024xf32>
      %get3A_34 = vector.shape_cast %get3A_33 : vector<1x2048x1024xf32> to vector<2048x1024xf32>
      %dot_general3A = arith.constant dense<0.000000e+00> : vector<256x2048xf32>
      %dot_general3A_35 = tpu.matmul %concatenate3A, %get3A_34, %dot_general3A {dimension_numbers = #tpu.dot_dimension_numbers<[1], [1], [0], [0], [0, 0, 1, 0], [], []>, transpose_lhs_hint = false} : vector<256x1024xf32>, vector<2048x1024xf32>, vector<256x2048xf32> -> vector<256x2048xf32>
      %slice3A = vector.extract_strided_slice %dot_general3A_35 {offsets = [0, 0], sizes = [256, 1024], strides = [1, 1]} : vector<256x2048xf32> to vector<256x1024xf32>
      %slice3A_36 = vector.extract_strided_slice %dot_general3A_35 {offsets = [0, 1024], sizes = [256, 1024], strides = [1, 1]} : vector<256x2048xf32> to vector<256x1024xf32>
      %logistic3A = arith.negf %slice3A : vector<256x1024xf32>
      %logistic3A_37 = math.exp %logistic3A : vector<256x1024xf32>
      %logistic3A_38 = arith.constant 1.000000e+00 : f32
      %logistic3A_39 = vector.broadcast %logistic3A_38 : f32 to vector<256x1024xf32>
      %logistic3A_40 = arith.addf %logistic3A_39, %logistic3A_37 : vector<256x1024xf32>
      %logistic3A_41 = arith.divf %logistic3A_39, %logistic3A_40 : vector<256x1024xf32>
      %mul3A = arith.mulf %slice3A, %logistic3A_41 : vector<256x1024xf32>
      %mul3A_42 = arith.mulf %mul3A, %slice3A_36 : vector<256x1024xf32>
      %get3A_43 = arith.index_cast %rem3A_19 : i32 to index
      %get3A_44 = arith.constant 0 : index
      %get3A_45 = arith.constant 0 : index
      %get3A_46 = vector.load %arg12[%get3A_43, %get3A_44, %get3A_45] : memref<2x1024x1024xf32, #tpu.memory_space<vmem>>, vector<1x1024x1024xf32>
      %get3A_47 = vector.shape_cast %get3A_46 : vector<1x1024x1024xf32> to vector<1024x1024xf32>
      %dot_general3A_48 = arith.constant dense<0.000000e+00> : vector<256x1024xf32>
      %dot_general3A_49 = tpu.matmul %mul3A_42, %get3A_47, %dot_general3A_48 {dimension_numbers = #tpu.dot_dimension_numbers<[1], [1], [0], [0], [0, 0, 1, 0], [], []>, transpose_lhs_hint = false} : vector<256x1024xf32>, vector<1024x1024xf32>, vector<256x1024xf32> -> vector<256x1024xf32>
      %get3A_50 = arith.constant 0 : index
      %get3A_51 = arith.constant 0 : index
      %get3A_52 = vector.load %arg9[%get3A_50, %get3A_51] : memref<256x128xf32, #tpu.memory_space<vmem>>, vector<256x1xf32>
      %mul3A_53 = vector.broadcast %get3A_52 : vector<256x1xf32> to vector<256x1024xf32>
      %mul3A_54 = arith.mulf %dot_general3A_49, %mul3A_53 : vector<256x1024xf32>
      %slice3A_55 = vector.extract_strided_slice %mul3A_54 {offsets = [0, 0], sizes = [256, 512], strides = [1, 1]} : vector<256x1024xf32> to vector<256x512xf32>
      %convert_element_type3A_56 = arith.truncf %slice3A_55 : vector<256x512xf32> to vector<256x512xbf16>
      %convert_element_type3A_57 = arith.extf %convert_element_type3A_56 : vector<256x512xbf16> to vector<256x512xf32>
      %bitcast_convert_type3A_58 = tpu.bitcast %convert_element_type3A_57 : vector<256x512xf32> -> vector<256x512xi32>
      %slice3A_59 = vector.extract_strided_slice %mul3A_54 {offsets = [0, 512], sizes = [256, 512], strides = [1, 1]} : vector<256x1024xf32> to vector<256x512xf32>
      %convert_element_type3A_60 = arith.truncf %slice3A_59 : vector<256x512xf32> to vector<256x512xbf16>
      %convert_element_type3A_61 = arith.extf %convert_element_type3A_60 : vector<256x512xbf16> to vector<256x512xf32>
      %bitcast_convert_type3A_62 = tpu.bitcast %convert_element_type3A_61 : vector<256x512xf32> -> vector<256x512xi32>
      %shift_right_logical3A = arith.constant 16 : i32
      %shift_right_logical3A_63 = vector.broadcast %shift_right_logical3A : i32 to vector<256x512xi32>
      %shift_right_logical3A_64 = arith.shrui %bitcast_convert_type3A_58, %shift_right_logical3A_63 : vector<256x512xi32>
      %and3A_65 = arith.constant -65536 : i32
      %and3A_66 = vector.broadcast %and3A_65 : i32 to vector<256x512xi32>
      %and3A_67 = arith.andi %bitcast_convert_type3A_62, %and3A_66 : vector<256x512xi32>
      %or3A_68 = arith.ori %shift_right_logical3A_64, %and3A_67 : vector<256x512xi32>
      %bitcast_convert_type3A_69 = tpu.bitcast %or3A_68 : vector<256x512xi32> -> vector<256x512xf32>
      %swap3A = arith.constant 0 : index
      %swap3A_70 = arith.constant 0 : index
      %swap3A_71 = vector.load %arg10[%swap3A, %swap3A_70] : memref<256x512xf32, #tpu.memory_space<vmem>>, vector<256x512xf32>
      tpu.vector_store %arg10[%swap3A, %swap3A_70], %bitcast_convert_type3A_69 {strides = array<i32>} : memref<256x512xf32, #tpu.memory_space<vmem>>, vector<256x512xf32>,
    } else {
    }
    return
  }
  func.func @transform_0(%arg0: i32, %arg1: memref<24xi32, #tpu.memory_space<smem>>, %arg2: memref<1xi32, #tpu.memory_space<smem>>, %arg3: memref<24xi32, #tpu.memory_space<smem>>, %arg4: memref<8xi32, #tpu.memory_space<smem>>, %arg5: memref<1xi32, #tpu.memory_space<smem>>) -> (i32, i32) {
    %get3A = arith.constant 0 : index
    %get3A_0 = memref.load %arg2[%get3A] : memref<1xi32, #tpu.memory_space<smem>>
    %sub3A = arith.constant 1 : i32
    %sub3A_1 = arith.subi %get3A_0, %sub3A : i32
    %min3A = arith.minsi %arg0, %sub3A_1 : i32
    %c0_i32 = arith.constant 0 : i32
    %c0_i32_2 = arith.constant 0 : i32
    return %min3A, %c0_i32 : i32, i32
  }
  func.func @transform_3(%arg0: i32, %arg1: memref<24xi32, #tpu.memory_space<smem>>, %arg2: memref<1xi32, #tpu.memory_space<smem>>, %arg3: memref<24xi32, #tpu.memory_space<smem>>, %arg4: memref<8xi32, #tpu.memory_space<smem>>, %arg5: memref<1xi32, #tpu.memory_space<smem>>) -> (i32, i32) {
    %get3A = arith.constant 0 : index
    %get3A_0 = memref.load %arg2[%get3A] : memref<1xi32, #tpu.memory_space<smem>>
    %sub3A = arith.constant 1 : i32
    %sub3A_1 = arith.subi %get3A_0, %sub3A : i32
    %min3A = arith.minsi %arg0, %sub3A_1 : i32
    %c0_i32 = arith.constant 0 : i32
    %c0_i32_2 = arith.constant 0 : i32
    return %min3A, %c0_i32 : i32, i32
  }
  func.func @transform_4(%arg0: i32, %arg1: memref<24xi32, #tpu.memory_space<smem>>, %arg2: memref<1xi32, #tpu.memory_space<smem>>, %arg3: memref<24xi32, #tpu.memory_space<smem>>, %arg4: memref<8xi32, #tpu.memory_space<smem>>, %arg5: memref<1xi32, #tpu.memory_space<smem>>) -> (i32, i32) {
    %get3A = arith.constant 0 : index
    %get3A_0 = memref.load %arg2[%get3A] : memref<1xi32, #tpu.memory_space<smem>>
    %sub3A = arith.constant 1 : i32
    %sub3A_1 = arith.subi %get3A_0, %sub3A : i32
    %min3A = arith.minsi %arg0, %sub3A_1 : i32
    %c0_i32 = arith.constant 0 : i32
    %c0_i32_2 = arith.constant 0 : i32
    return %min3A, %c0_i32 : i32, i32
  }
}

module attributes {stable_mosaic.version = 14 : i64} {
  func.func @_add_body(%arg0: i32, %arg1: memref<256x512xf32, #tpu.memory_space<vmem>>, %arg2: memref<256x512xf32, #tpu.memory_space<vmem>>, %arg3: memref<256x1024xf32, #tpu.memory_space<vmem>>) attributes {dimension_semantics = [#tpu.dimension_semantics<arbitrary>], iteration_bounds = array<i64: 8>, scalar_prefetch = 0 : i64, scratch_operands = 0 : i64, tpu.core_type = #tpu.core_type<tc>, window_params = [{transform_indices = @transform_0, window_bounds = array<i64: 256, 512>}, {transform_indices = @transform_1, window_bounds = array<i64: 256, 512>}, {transform_indices = @transform_2, window_bounds = array<i64: 256, 1024>}]} {
    %get3A = arith.constant 0 : index
    %get3A_0 = arith.constant 0 : index
    %get3A_1 = vector.load %arg1[%get3A, %get3A_0] : memref<256x512xf32, #tpu.memory_space<vmem>>, vector<256x512xf32>
    %bitcast_convert_type3A = tpu.bitcast %get3A_1 : vector<256x512xf32> -> vector<256x512xi32>
    %get3A_2 = arith.constant 0 : index
    %get3A_3 = arith.constant 0 : index
    %get3A_4 = vector.load %arg2[%get3A_2, %get3A_3] : memref<256x512xf32, #tpu.memory_space<vmem>>, vector<256x512xf32>
    %bitcast_convert_type3A_5 = tpu.bitcast %get3A_4 : vector<256x512xf32> -> vector<256x512xi32>
    %shift_left3A = arith.constant 16 : i32
    %shift_left3A_6 = vector.broadcast %shift_left3A : i32 to vector<256x512xi32>
    %shift_left3A_7 = arith.shli %bitcast_convert_type3A, %shift_left3A_6 : vector<256x512xi32>
    %bitcast_convert_type3A_8 = tpu.bitcast %shift_left3A_7 : vector<256x512xi32> -> vector<256x512xf32>
    %shift_left3A_9 = arith.constant 16 : i32
    %shift_left3A_10 = vector.broadcast %shift_left3A_9 : i32 to vector<256x512xi32>
    %shift_left3A_11 = arith.shli %bitcast_convert_type3A_5, %shift_left3A_10 : vector<256x512xi32>
    %bitcast_convert_type3A_12 = tpu.bitcast %shift_left3A_11 : vector<256x512xi32> -> vector<256x512xf32>
    %add3A = arith.addf %bitcast_convert_type3A_8, %bitcast_convert_type3A_12 : vector<256x512xf32>
    %swap3A = arith.constant 0 : index
    %swap3A_13 = arith.constant 0 : index
    %swap3A_14 = vector.load %arg3[%swap3A, %swap3A_13] : memref<256x1024xf32, #tpu.memory_space<vmem>>, vector<256x512xf32>
    tpu.vector_store %arg3[%swap3A, %swap3A_13], %add3A {strides = array<i32>} : memref<256x1024xf32, #tpu.memory_space<vmem>>, vector<256x512xf32>,
    %and3A = arith.constant -65536 : i32
    %and3A_15 = vector.broadcast %and3A : i32 to vector<256x512xi32>
    %and3A_16 = arith.andi %bitcast_convert_type3A, %and3A_15 : vector<256x512xi32>
    %bitcast_convert_type3A_17 = tpu.bitcast %and3A_16 : vector<256x512xi32> -> vector<256x512xf32>
    %and3A_18 = arith.constant -65536 : i32
    %and3A_19 = vector.broadcast %and3A_18 : i32 to vector<256x512xi32>
    %and3A_20 = arith.andi %bitcast_convert_type3A_5, %and3A_19 : vector<256x512xi32>
    %bitcast_convert_type3A_21 = tpu.bitcast %and3A_20 : vector<256x512xi32> -> vector<256x512xf32>
    %add3A_22 = arith.addf %bitcast_convert_type3A_17, %bitcast_convert_type3A_21 : vector<256x512xf32>
    %swap3A_23 = arith.constant 0 : index
    %swap3A_24 = arith.constant 512 : index
    %swap3A_25 = vector.load %arg3[%swap3A_23, %swap3A_24] : memref<256x1024xf32, #tpu.memory_space<vmem>>, vector<256x512xf32>
    tpu.vector_store %arg3[%swap3A_23, %swap3A_24], %add3A_22 {strides = array<i32>} : memref<256x1024xf32, #tpu.memory_space<vmem>>, vector<256x512xf32>,
    return
  }
  func.func @transform_0(%arg0: i32) -> (i32, i32) {
    %c0_i32 = arith.constant 0 : i32
    %c0_i32_0 = arith.constant 0 : i32
    return %arg0, %c0_i32 : i32, i32
  }
  func.func @transform_1(%arg0: i32) -> (i32, i32) {
    %c0_i32 = arith.constant 0 : i32
    %c0_i32_0 = arith.constant 0 : i32
    return %arg0, %c0_i32 : i32, i32
  }
  func.func @transform_2(%arg0: i32) -> (i32, i32) {
    %c0_i32 = arith.constant 0 : i32
    %c0_i32_0 = arith.constant 0 : i32
    return %arg0, %c0_i32 : i32, i32
  }
}

</mosaic_0001>

<sc_bundles>
// kernel: kernel.6.cloned.1.call-start
scs
__scs_entry_jumppad:
0x0: {  	(pc) =	sbr.rel $0x88, $3  }
0x1: {  	(tag) =	ssettag $0x0;
	lr =	simm.s32 $0x1  }
0x2: {  	[smem:$0x3F9C] =	sst lr;
	_ =	strace $0xD0000000  }
0x3: {  	_ = 	snop  }
0x4: {  	_ = 	snop  }
0x5: {  	_ = 	snop  }
0x6: {  	_ = 	snop  }
0x7: {  	_ = 	snop  }
__scs_overlays_trampoline_lowered:
0x8: {  	[smem:$0x3FAB] =	sst s0  }
0x9: {  	[smem:$0x3FAC] =	sst s1  }
0xa: {  	[smem:$0x3FAD] =	sst s2  }
0xb: {  	[smem:$0x3FAE] =	sst s3  }
0xc: {  	[smem:$0x3FAF] =	sst s4  }
0xd: {  	[smem:$0x3FB0] =	sst s5  }
0xe: {  	[smem:$0x3FB1] =	sst s6  }
0xf: {  	[smem:$0x3FB2] =	sst s7  }
0x10: {  	[smem:$0x3FB3] =	sst s8  }
0x11: {  	[smem:$0x3FB4] =	sst s9;
	s0 =	simm.s32 @!p0 $0x0  }
0x12: {  	s1 =	sld [smem:$0x3F9A];
	s0 =	simm.s32 @p0 $0x1  }
0x13: {  	[smem:$0x3FB5] =	sst s0;
	s0 =	simm.s32 @!p1 $0x0  }
0x14: {  	s2 =	sld [smem:$0x3F99];
	s0 =	simm.s32 @p1 $0x1  }
0x15: {  	[smem:$0x3FB6] =	sst s0;
	s0 =	simm.s32 @!p2 $0x0  }
0x16: {  	s3 =	sld [smem:$0x3FDB];
	s0 =	simm.s32 @p2 $0x1  }
0x17: {  	s4 =	simm.s32 $0x1BF5;
	[smem:$0x3FB8] =	sst s0  }
0x18: {  	s0 =	sld [smem:$0x3F9B];
	_ =	swait.ge [sflag:s4], $0x0  }
0x19: {  	s7 =	sld [smem:$0x3F9C]  }
0x1a: {  	s8 =	sadd.s32 $0xFFFFE003, lr  }
0x1b: {  	s9 =	sadd.s32 $0xFFFFFEF7, lr;
	s5 =	simm.s32 $0xFFFFFFFF;
	p2 =	slt.u32 s8, $0xFFFFF086  }
0x1c: {  	p1 =	slt.u32 s9, $0xF7A;
	s5 =	simm.s32 @!p2 $0x0  }
0x1d: {  	s5 =	simm.s32 @p1 $0x1;
	p0 =	seq.s32 s7, s2  }
0x1e: {  	s7 =	smul.u32 @!p0 $0xF7A, s2;
	p2 =	seq.s32 @!p0 s5, $0x0  }
0x1f: {  	s9 =	smul.u32 $0xF7A, s1;
	s8 =	simm.s32 @!p0 $0x1BF5;
	p2 =	por !p2, p0  }
0x20: {  	[sflag:s8] =	ssyncset.s32 @!p0 $0xFFFFF086;
	s6 =	sadd.s32 @!p0 s3, s7;
	s7 =	simm.s32 @!p0 $0x108  }
0x21: {  	s3 =	sadd.s32 s3, s9;
	s6 =	sadd.s32 @!p0 $0x88, s6;
	s7 =	simm.s32 @p2 $0x1082  }
0x22: {  	[simem:s7], [sflag:s8] =	dma.local @!p0 [hbm:s6], $0xF7A  }
0x23: {  	s9 =	sor.u32 $0xD0000000, s2;
	s6 =	simm.s32 $0x108;
	_ =	swait.ge @!p0 [sflag:s8], $0x0  }
0x24: {  	s3 =	sadd.s32 $0x88, s3;
	s6 =	simm.s32 @!p1 $0x1082;
	[sflag:s4] =	ssyncset.s32 $0xFFFFF086  }
0x25: {  	[simem:s6], [sflag:s4] =	dma.local [hbm:s3], $0xF7A  }
0x26: {  	[smem:$0x3F9C] =	sst s1;
	(tag) =	ssettag s2;
	_ =	strace s9  }
0x27: {  	s1 =	sld [smem:$0x3FAC]  }
0x28: {  	s2 =	sld [smem:$0x3FAD]  }
0x29: {  	s4 =	sld [smem:$0x3FAF]  }
0x2a: {  	p0 =	seq.s32 s5, $0x0;
	s5 =	sld [smem:$0x3FB0]  }
0x2b: {  	s6 =	sld [smem:$0x3FB1]  }
0x2c: {  	s7 =	sld [smem:$0x3FB2]  }
0x2d: {  	s3 =	simm.s32 $0x108;
	s8 =	sld [smem:$0x3FB3]  }
0x2e: {  	s3 =	simm.s32 @!p0 $0x1082;
	s9 =	sld [smem:$0x3FB4]  }
0x2f: {  	lr =	sadd.s32 s0, s3;
	s0 =	sld [smem:$0x3FAB]  }
0x30: {  	s3 =	sld [smem:$0x3FAE]  }
0x31: {  	[smem:$0x3FB7] =	sst s10  }
0x32: {  	s10 =	sld [smem:$0x3FB5];
	_ =	sdelay $0x3  }
0x33: {  	p0 =	seq.s32 s10, $0x1;
	s10 =	sld [smem:$0x3FB7];
	_ =	sdelay $0x3  }
0x34: {  	[smem:$0x3FB7] =	sst s10  }
0x35: {  	s10 =	sld [smem:$0x3FB6];
	_ =	sdelay $0x3  }
0x36: {  	p1 =	seq.s32 s10, $0x1;
	s10 =	sld [smem:$0x3FB7];
	_ =	sdelay $0x3  }
0x37: {  	[smem:$0x3FB7] =	sst s10  }
0x38: {  	s10 =	sld [smem:$0x3FB8]  }
0x39: {  	_ = 	snop;
	(pc) =	sbr.ind lr, $3  }
0x3a: {  	_ = 	snop  }
0x3b: {  	_ = 	snop  }
0x3c: {  	p2 =	seq.s32 s10, $0x1;
	s10 =	sld [smem:$0x3FB7]  }
0x3d: {  	_ =	shalt  }
0x3e: {  	_ =	shalt  }
0x3f: {  	_ =	shalt  }
0x40: {  	_ =	shalt  }
0x41: {  	_ =	shalt  }
0x42: {  	_ =	shalt  }
0x43: {  	_ =	shalt  }
0x44: {  	_ =	shalt  }
0x45: {  	_ =	shalt  }
0x46: {  	_ =	shalt  }
0x47: {  	_ =	shalt  }
0x48: {  	_ =	shalt  }
0x49: {  	_ =	shalt  }
0x4a: {  	_ =	shalt  }
0x4b: {  	_ =	shalt  }
0x4c: {  	_ =	shalt  }
0x4d: {  	_ =	shalt  }
0x4e: {  	_ =	shalt  }
0x4f: {  	_ =	shalt  }
0x50: {  	_ =	shalt  }
0x51: {  	_ =	shalt  }
0x52: {  	_ =	shalt  }
0x53: {  	_ =	shalt  }
0x54: {  	_ =	shalt  }
0x55: {  	_ =	shalt  }
0x56: {  	_ =	shalt  }
0x57: {  	_ =	shalt  }
0x58: {  	_ =	shalt  }
0x59: {  	_ =	shalt  }
0x5a: {  	_ =	shalt  }
0x5b: {  	_ =	shalt  }
0x5c: {  	_ =	shalt  }
0x5d: {  	_ =	shalt  }
0x5e: {  	_ =	shalt  }
0x5f: {  	_ =	shalt  }
0x60: {  	_ =	shalt  }
0x61: {  	_ =	shalt  }
0x62: {  	_ =	shalt  }
0x63: {  	_ =	shalt  }
0x64: {  	_ =	shalt  }
0x65: {  	_ =	shalt  }
0x66: {  	_ =	shalt  }
0x67: {  	_ =	shalt  }
0x68: {  	_ =	shalt  }
0x69: {  	_ =	shalt  }
0x6a: {  	_ =	shalt  }
0x6b: {  	_ =	shalt  }
0x6c: {  	_ =	shalt  }
0x6d: {  	_ =	shalt  }
0x6e: {  	_ =	shalt  }
0x6f: {  	_ =	shalt  }
0x70: {  	_ =	shalt  }
0x71: {  	_ =	shalt  }
0x72: {  	_ =	shalt  }
0x73: {  	_ =	shalt  }
0x74: {  	_ =	shalt  }
0x75: {  	_ =	shalt  }
0x76: {  	_ =	shalt  }
0x77: {  	_ =	shalt  }
0x78: {  	_ =	shalt  }
0x79: {  	_ =	shalt  }
0x7a: {  	_ =	shalt  }
0x7b: {  	_ =	shalt  }
0x7c: {  	_ =	shalt  }
0x7d: {  	_ =	shalt  }
0x7e: {  	_ =	shalt  }
0x7f: {  	_ =	shalt  }
0x80: {  	_ =	shalt  }
0x81: {  	_ =	shalt  }
0x82: {  	_ =	shalt  }
0x83: {  	_ =	shalt  }
0x84: {  	_ =	shalt  }
0x85: {  	_ =	shalt  }
0x86: {  	_ =	shalt  }
0x87: {  	_ =	shalt  }
.Lfunc_end0:
.L_simem_size_0:
called_computation_lowered:
.L_overlay_start_0:
0x88: {  	s2 =	sld [smem:$0x3FD9]  }
0x89: {  	s3 =	sld [smem:$0x3FFE];
	_ =	sdelay $0x1  }
0x8a: {  	s1 =	srdreg.scid  }
0x8b: {  	s0 =	sand.u32 $0x1, s1  }
0x8c: {  	s17 =	sshll.u32 s0, $0xA;
	s2 =	sadd.s32 s3, s2  }
0x8d: {  	s2 =	sadd.s32 s2, s17  }
0x8e: {  	[smem:$0x3FC3] =	sst s2  }
0x8f: {  	_ = 	snop  }
0x90: {  	s2 =	sld [smem:$0x3FD0];
	(tm) =	ssettm $0x1  }
0x91: {  	s18 =	sld [smem:$0x3FFB];
	_ =	sdelay $0x3  }
0x92: {  	_ =	strace s18  }
0x93: {  	s3 =	sld [smem:$0x3FFC];
	_ =	sdelay $0x3  }
0x94: {  	_ =	strace s3  }
0x95: {  	s3 =	sld [smem:$0x3FFD];
	_ =	sdelay $0x3  }
0x96: {  	_ =	strace s3  }
0x97: {  	_ =	strace $0x8FFFFFFF  }
0x98: {  	s19 =	sld [smem:$0x3FDB];
	_ =	sdelay $0x1  }
0x99: {  	s4 =	simm.s32 $_scs_section_size  }
0x9a: {  	s5 =	simm.s32 $_size__tile_overlayer_lowered;
	s6 =	simm.s32 $_tile_overlayer_lowered  }
0x9b: {  	s22 =	simm.s32 $0x1BFF;
	s21 =	sshll.u32 s6, $0x1;
	s3 =	sadd.s32 s4, s19  }
0x9c: {  	s7 =	simm.s32 $0x0;
	s20 =	sshll.u32 s5, $0x1;
	s5 =	sadd.s32 s21, s3  }
0x9d: {  	[timem:s7], [sflag:s22] =	dma.local [hbm:s5], s20  }
0x9e: {  	_ =	swait.ge [sflag:s22], s20  }
0x9f: {  	s4 =	ssub.s32 $0x0, s20;
	[sflag:s22] =	ssyncset.done $0x0  }
0xa0: {  	[sflag:s22] =	ssyncadd.s32 s4;
	_ =	sdelay $0x1  }
0xa1: {  	s23 =	simm.s32 $0x1B8B  }
0xa2: {  	_ =	swait.ge [sflag:s23], $0x1  }
0xa3: {  	[sflag:s23] =	ssyncset.done $0x0  }
0xa4: {  	s25 =	simm.s32 $0x1B8E;
	s24 =	sld [smem:$0x3FFE];
	[sflag:s23] =	ssyncadd.s32 $0xFFFFFFFF  }
0xa5: {  	s26 =	simm.s32 $execute0_lowered;
	[smem:$0x3FD2] =	sst s25  }
0xa6: {  	s5 =	sshll.u32 s26, $0x1;
	_ =	strace $0x80000046;
	[dreg:$0x1] =	wrdreg $0xFFFFFFFF  }
0xa7: {  	s28 =	simm.s32 $_size_execute0_lowered;
	s3 =	sadd.s32 s3, s5;
	[dreg:$0x0] =	wrdreg $0x0  }
0xa8: {  	s5 =	sshll.u32 s28, $0x1;
	[dreg:$0x2] =	wrdreg s3  }
0xa9: {  	[dreg:$0x3] =	wrdreg s5  }
0xaa: {  	[dreg:$0x4] =	wrdreg $0xC0  }
0xab: {  	_ =	task [dreg:s7], $0x5FFFF  }
0xac: {  	[dreg:$0x1] =	wrdreg $0xFFFFFFFF  }
0xad: {  	[dreg:$0x0] =	wrdreg $0x60  }
0xae: {  	[dreg:$0x2] =	wrdreg s2  }
0xaf: {  	[dreg:$0x3] =	wrdreg s24  }
0xb0: {  	[dreg:$0x4] =	wrdreg $0x9  }
0xb1: {  	_ =	task.clear_ibuf [dreg:s7], $0x5FFFF;
	_ =	strace $0x90000046  }
0xb2: {  	s29 =	simm.s32 $0x9;
	_ =	strace $0x80000048  }
0xb3: {  	_ =	swait.ge [sflag:s29], $0x1  }
0xb4: {  	[sflag:s29] =	ssyncadd.s32 $0xFFFFFFFF  }
0xb5: {  	_ =	strace $0x90000048  }
0xb6: {  	_ =	sfence  }
0xb7: {  	s30 =	sld [smem:$0x0];
	_ =	sdelay $0x2  }
0xb8: {  	s31 =	sshll.u32 s1, $0xD;
	s1 =	sshrl.u32 s1, $0x2  }
0xb9: {  	s3 =	sand.u32 $0x4000, s31;
	s1 =	sadd.s32 s1, s30  }
0xba: {  	s0 =	sor.u32 s3, s0;
	s1 =	sshll.u32 s1, $0x11  }
0xbb: {  	s0 =	sor.u32 s1, s0  }
0xbc: {  	s0 =	sadd.s32 $0x8F2B, s0  }
0xbd: {  	[sflag:s0] =	ssyncadd.remote.s32 $0x1  }
0xbe: {  	_ =	sfence.sel $0xFFFF  }
0xbf: {  	[dreg:$0x0] =	wrdreg $0xFFFFFFFF;
	(pc) =	sbr.abs _section_cstart, $3  }
0xc0: {  	[dreg:$0x1] =	wrdreg $0xFFFFFFFF  }
0xc1: {  	_ =	task.clear_ibuf [dreg:s7], $0x2FFFF;
	_ =	strace $0x9FFFFFFF  }
0xc2: {  	(tm) =	ssettm $0x7FFFFFFF  }
0xc3: {  	_ =	shalt  }
tec
execute0_lowered:
.L_overlay_start_1:
0x0: {  	(tag) =	ssettag $0x1  }
0x1: {  	s1 =	rddreg [dreg:$0x0];
	s2 =	srdreg.scid  }
0x2: {  	s0 =	stileid.u32;
	s8 =	rddreg [dreg:$0x1]  }
0x3: {  	s12 =	simm.s32 $0xC080;
	s13 =	simm.s32 $0x800;
	s14 =	simm.s32 $0x1000  }
0x4: {  	s15 =	simm.s32 $0x1800;
	s16 =	simm.s32 $0x2000;
	s17 =	simm.s32 $0x2800  }
0x5: {  	s18 =	simm.s32 $0x3000;
	s19 =	simm.s32 $0x3800;
	s20 =	simm.s32 $0x4000  }
0x6: {  	s21 =	simm.s32 $0x4800;
	s22 =	simm.s32 $0x5000;
	s23 =	simm.s32 $0x5800  }
0x7: {  	s24 =	simm.s32 $0x6000;
	s28 =	simm.s32 $0x7800;
	s29 =	simm.s32 $0x1  }
0x8: {  	s30 =	simm.s32 $0x8000;
	s31 =	simm.s32 $0xC100;
	s4 =	sand.u32 $0x1, s2  }
0x9: {  	s3 =	sshll.u32 s0, $0x1;
	s2 =	simm.s32 $0x0;
	s6 =	sadd.s32 $0x10600, s8  }
0xa: {  	s9 =	sor.u32 s4, s3;
	[smem:$0x7FF] =	sst s2;
	s4 =	ssub.s32 $0x2, s4  }
0xb: {  	s3 =	sshll.u32 s9, $0xB;
	_ =	strace $0x80000047;
	s25 =	sshll.u32 s9, $0x3  }
0xc: {  	s10 =	sshrl.u32 s4, $0x1;
	s11 =	sshll.u32 s9, $0xC;
	[dreg:$0x3] =	wrdreg s6  }
0xd: {  	s6 =	sadd.s32 $0x28700, s8;
	s26 =	sshll.u32 s9, $0x4;
	s7 =	sadd.s32 s3, s8  }
0xe: {  	s5 =	sadd.s32 s25, s8;
	s3 =	sadd.s32 $0x28600, s8;
	s10 =	ssub.s32 s4, s10  }
0xf: {  	s1 =	sadd.s32 s1, s11;
	s8 =	sadd.s32 s8, s26;
	s11 =	simm.s32 $0xC000  }
0x10: {  	v2 =	vlaneseq.u32;
	s25 =	simm.s32 $0x6800;
	s26 =	simm.s32 $0x7000;
	[dreg:$0x4] =	wrdreg s1  }
0x11: {  	vm0 =	vmmov $0xffff;
	v1 =	vshrl.u32 v2, $0x3;
	s4 =	sadd.s32 $0x400, s5;
	s5 =	sadd.s32 $0x200, s5;
	s7 =	sadd.s32 $0x600, s7  }
0x12: {  	v0 =	vand.u32 $0x7, v2;
	v2 =	vor.u32 $0x8, v2;
	v1 =	vmul.u32 $0x8, v1;
	s9 =	smax.u32 s10, $0x1;
	s10 =	simm.s32 $0x2;
	s1 =	simm.s32 $0x80  }
.LBB2_1:
0x13: {  	s0 =	rddreg [dreg:$0x4]  }
0x14: {  	[tilespmem:s2], [sflag:$0x2] =	stream.linear.gather [hbm4b:s0+s2], $0x8000, $0x38;
	[tilespmem:$0xC180] =	vst v63  }
0x15: {  	_ =	swait.ge [sflag:s10], $0x8000  }
0x16: {  	[sflag:s10] =	ssyncset.done $0x0  }
0x17: {  	[sflag:s10] =	ssyncadd.s32 $0xFFFF8000  }
0x18: {  	[tilespmem:s11], [sflag:$0x2] =	stream.linear.gather [hbm4b:s4+s2], $0x40, $0x38;
	[tilespmem:$0xC180] =	vst v63  }
0x19: {  	_ =	swait.ge [sflag:s10], $0x40  }
0x1a: {  	[sflag:s10] =	ssyncset.done $0x0  }
0x1b: {  	[sflag:s10] =	ssyncadd.s32 $0xFFFFFFC0  }
0x1c: {  	[tilespmem:s12], [sflag:$0x2] =	stream.linear.gather [hbm4b:s5+s2], $0x40, $0x38;
	[tilespmem:$0xC180] =	vst v63  }
0x1d: {  	_ =	swait.ge [sflag:s10], $0x40  }
0x1e: {  	[sflag:s10] =	ssyncset.done $0x0  }
0x1f: {  	[sflag:s10] =	ssyncadd.s32 $0xFFFFFFC0  }
0x20: {  	v3 =	vld [tilespmem:$0xC000];
	_ =	sdelay $0x4  }
0x21: {  	v4 =	vshll.u32 v3, $0x2  }
0x22: {  	v3 =	vand.u32 $0x7, v3;
	v4 =	vand.u32 $0xFFFFFFE0, v4  }
0x23: {  	v3 =	vor.u32 v3, v4  }
0x24: {  	v4 =	vperm.xlane v3, v0;
	_ =	sdelay $0x1  }
0x25: {  	v4 =	vadd.s32 v1, v4;
	_ =	sdelay $0x1  }
0x26: {  	v3 =	vperm.xlane v3, v2;
	_ =	sdelay $0x1  }
0x27: {  	v3 =	vadd.s32 v1, v3  }
0x28: {  	[hbm4b:s3+s2] =	stream.indirect_vreg.scatter [tilespmem:s2], [sflag:$0x1], $0x80, v4, vm0, $0xb8;
	[tilespmem:$0xC180] =	vst v63  }
0x29: {  	_ = 	snop  }
0x2a: {  	[hbm4b:s6+s2] =	stream.indirect_vreg.scatter [tilespmem:s13], [sflag:$0x1], $0x80, v4, vm0, $0xb8;
	[tilespmem:$0xC180] =	vst v63  }
0x2b: {  	_ = 	snop  }
0x2c: {  	[hbm4b:s3+s2] =	stream.indirect_vreg.scatter [tilespmem:s14], [sflag:$0x1], $0x80, v3, vm0, $0xb8;
	[tilespmem:$0xC180] =	vst v63  }
0x2d: {  	_ = 	snop  }
0x2e: {  	[hbm4b:s6+s2] =	stream.indirect_vreg.scatter [tilespmem:s15], [sflag:$0x1], $0x80, v3, vm0, $0xb8;
	[tilespmem:$0xC180] =	vst v63  }
0x2f: {  	v3 =	vld [tilespmem:$0xC010];
	_ =	sdelay $0x4  }
0x30: {  	v57 =	vshll.u32 v3, $0x2  }
0x31: {  	v3 =	vand.u32 $0x7, v3;
	v4 =	vand.u32 $0xFFFFFFE0, v57  }
0x32: {  	v3 =	vor.u32 v3, v4  }
0x33: {  	v4 =	vperm.xlane v3, v0;
	_ =	sdelay $0x1  }
0x34: {  	v4 =	vadd.s32 v1, v4;
	_ =	sdelay $0x1  }
0x35: {  	v3 =	vperm.xlane v3, v2;
	_ =	sdelay $0x1  }
0x36: {  	v3 =	vadd.s32 v1, v3  }
0x37: {  	[hbm4b:s3+s2] =	stream.indirect_vreg.scatter [tilespmem:s16], [sflag:$0x1], $0x80, v4, vm0, $0xb8;
	[tilespmem:$0xC180] =	vst v63  }
0x38: {  	_ = 	snop  }
0x39: {  	[hbm4b:s6+s2] =	stream.indirect_vreg.scatter [tilespmem:s17], [sflag:$0x1], $0x80, v4, vm0, $0xb8;
	[tilespmem:$0xC180] =	vst v63  }
0x3a: {  	_ = 	snop  }
0x3b: {  	[hbm4b:s3+s2] =	stream.indirect_vreg.scatter [tilespmem:s18], [sflag:$0x1], $0x80, v3, vm0, $0xb8;
	[tilespmem:$0xC180] =	vst v63  }
0x3c: {  	_ = 	snop  }
0x3d: {  	[hbm4b:s6+s2] =	stream.indirect_vreg.scatter [tilespmem:s19], [sflag:$0x1], $0x80, v3, vm0, $0xb8;
	[tilespmem:$0xC180] =	vst v63  }
0x3e: {  	v3 =	vld [tilespmem:$0xC020];
	_ =	sdelay $0x4  }
0x3f: {  	v58 =	vshll.u32 v3, $0x2  }
0x40: {  	v3 =	vand.u32 $0x7, v3;
	v4 =	vand.u32 $0xFFFFFFE0, v58  }
0x41: {  	v3 =	vor.u32 v3, v4  }
0x42: {  	v4 =	vperm.xlane v3, v0;
	_ =	sdelay $0x1  }
0x43: {  	v4 =	vadd.s32 v1, v4;
	_ =	sdelay $0x1  }
0x44: {  	v3 =	vperm.xlane v3, v2;
	_ =	sdelay $0x1  }
0x45: {  	v3 =	vadd.s32 v1, v3  }
0x46: {  	[hbm4b:s3+s2] =	stream.indirect_vreg.scatter [tilespmem:s20], [sflag:$0x1], $0x80, v4, vm0, $0xb8;
	[tilespmem:$0xC180] =	vst v63  }
0x47: {  	_ = 	snop  }
0x48: {  	[hbm4b:s6+s2] =	stream.indirect_vreg.scatter [tilespmem:s21], [sflag:$0x1], $0x80, v4, vm0, $0xb8;
	[tilespmem:$0xC180] =	vst v63  }
0x49: {  	_ = 	snop  }
0x4a: {  	[hbm4b:s3+s2] =	stream.indirect_vreg.scatter [tilespmem:s22], [sflag:$0x1], $0x80, v3, vm0, $0xb8;
	[tilespmem:$0xC180] =	vst v63  }
0x4b: {  	_ = 	snop  }
0x4c: {  	[hbm4b:s6+s2] =	stream.indirect_vreg.scatter [tilespmem:s23], [sflag:$0x1], $0x80, v3, vm0, $0xb8;
	[tilespmem:$0xC180] =	vst v63  }
0x4d: {  	v3 =	vld [tilespmem:$0xC030];
	_ =	sdelay $0x4  }
0x4e: {  	v59 =	vshll.u32 v3, $0x2  }
0x4f: {  	v3 =	vand.u32 $0x7, v3;
	v4 =	vand.u32 $0xFFFFFFE0, v59  }
0x50: {  	v3 =	vor.u32 v3, v4  }
0x51: {  	v4 =	vperm.xlane v3, v0;
	_ =	sdelay $0x1  }
0x52: {  	v4 =	vadd.s32 v1, v4;
	_ =	sdelay $0x1  }
0x53: {  	v3 =	vperm.xlane v3, v2;
	_ =	sdelay $0x1  }
0x54: {  	v3 =	vadd.s32 v1, v3  }
0x55: {  	[hbm4b:s3+s2] =	stream.indirect_vreg.scatter [tilespmem:s24], [sflag:$0x1], $0x80, v4, vm0, $0xb8;
	[tilespmem:$0xC180] =	vst v63  }
0x56: {  	_ = 	snop  }
0x57: {  	[hbm4b:s6+s2] =	stream.indirect_vreg.scatter [tilespmem:s25], [sflag:$0x1], $0x80, v4, vm0, $0xb8;
	[tilespmem:$0xC180] =	vst v63  }
0x58: {  	_ = 	snop  }
0x59: {  	[hbm4b:s3+s2] =	stream.indirect_vreg.scatter [tilespmem:s26], [sflag:$0x1], $0x80, v3, vm0, $0xb8;
	[tilespmem:$0xC180] =	vst v63  }
0x5a: {  	_ = 	snop  }
0x5b: {  	[hbm4b:s6+s2] =	stream.indirect_vreg.scatter [tilespmem:s28], [sflag:$0x1], $0x80, v3, vm0, $0xb8;
	[tilespmem:$0xC180] =	vst v63  }
0x5c: {  	_ =	swait.ge [sflag:s29], $0x8000  }
0x5d: {  	[sflag:s29] =	ssyncset.done $0x0  }
0x5e: {  	[sflag:s29] =	ssyncadd.s32 $0xFFFF8000  }
0x5f: {  	v3 =	vld [tilespmem:$0xC080];
	_ =	sdelay $0x4  }
0x60: {  	v60 =	vshll.u32 v3, $0x2  }
0x61: {  	v3 =	vand.u32 $0x7, v3;
	v4 =	vand.u32 $0xFFFFFFE0, v60  }
0x62: {  	v3 =	vor.u32 v3, v4  }
0x63: {  	v4 =	vperm.xlane v3, v0;
	_ =	sdelay $0x1  }
0x64: {  	v4 =	vadd.s32 v1, v4;
	_ =	sdelay $0x1  }
0x65: {  	v3 =	vperm.xlane v3, v2;
	_ =	sdelay $0x1  }
0x66: {  	v3 =	vadd.s32 v1, v3  }
0x67: {  	[hbm4b:s3+s2] =	stream.indirect_vreg.scatter [tilespmem:s2], [sflag:$0x1], $0x80, v4, vm0, $0xb8;
	[tilespmem:$0xC180] =	vst v63  }
0x68: {  	_ = 	snop  }
0x69: {  	[hbm4b:s6+s2] =	stream.indirect_vreg.scatter [tilespmem:s13], [sflag:$0x1], $0x80, v4, vm0, $0xb8;
	[tilespmem:$0xC180] =	vst v63  }
0x6a: {  	_ = 	snop  }
0x6b: {  	[hbm4b:s3+s2] =	stream.indirect_vreg.scatter [tilespmem:s14], [sflag:$0x1], $0x80, v3, vm0, $0xb8;
	[tilespmem:$0xC180] =	vst v63  }
0x6c: {  	_ = 	snop  }
0x6d: {  	[hbm4b:s6+s2] =	stream.indirect_vreg.scatter [tilespmem:s15], [sflag:$0x1], $0x80, v3, vm0, $0xb8;
	[tilespmem:$0xC180] =	vst v63  }
0x6e: {  	v3 =	vld [tilespmem:$0xC090];
	_ =	sdelay $0x4  }
0x6f: {  	v61 =	vshll.u32 v3, $0x2  }
0x70: {  	v3 =	vand.u32 $0x7, v3;
	v4 =	vand.u32 $0xFFFFFFE0, v61  }
0x71: {  	v3 =	vor.u32 v3, v4  }
0x72: {  	v4 =	vperm.xlane v3, v0;
	_ =	sdelay $0x1  }
0x73: {  	v4 =	vadd.s32 v1, v4;
	_ =	sdelay $0x1  }
0x74: {  	v3 =	vperm.xlane v3, v2;
	_ =	sdelay $0x1  }
0x75: {  	v3 =	vadd.s32 v1, v3  }
0x76: {  	[hbm4b:s3+s2] =	stream.indirect_vreg.scatter [tilespmem:s16], [sflag:$0x1], $0x80, v4, vm0, $0xb8;
	[tilespmem:$0xC180] =	vst v63  }
0x77: {  	_ = 	snop  }
0x78: {  	[hbm4b:s6+s2] =	stream.indirect_vreg.scatter [tilespmem:s17], [sflag:$0x1], $0x80, v4, vm0, $0xb8;
	[tilespmem:$0xC180] =	vst v63  }
0x79: {  	_ = 	snop  }
0x7a: {  	[hbm4b:s3+s2] =	stream.indirect_vreg.scatter [tilespmem:s18], [sflag:$0x1], $0x80, v3, vm0, $0xb8;
	[tilespmem:$0xC180] =	vst v63  }
0x7b: {  	_ = 	snop  }
0x7c: {  	[hbm4b:s6+s2] =	stream.indirect_vreg.scatter [tilespmem:s19], [sflag:$0x1], $0x80, v3, vm0, $0xb8;
	[tilespmem:$0xC180] =	vst v63  }
0x7d: {  	v3 =	vld [tilespmem:$0xC0A0];
	_ =	sdelay $0x4  }
0x7e: {  	v62 =	vshll.u32 v3, $0x2  }
0x7f: {  	v3 =	vand.u32 $0x7, v3;
	v4 =	vand.u32 $0xFFFFFFE0, v62  }
0x80: {  	v3 =	vor.u32 v3, v4  }
0x81: {  	v4 =	vperm.xlane v3, v0;
	_ =	sdelay $0x1  }
0x82: {  	v4 =	vadd.s32 v1, v4;
	_ =	sdelay $0x1  }
0x83: {  	v3 =	vperm.xlane v3, v2;
	_ =	sdelay $0x1  }
0x84: {  	v3 =	vadd.s32 v1, v3  }
0x85: {  	[hbm4b:s3+s2] =	stream.indirect_vreg.scatter [tilespmem:s20], [sflag:$0x1], $0x80, v4, vm0, $0xb8;
	[tilespmem:$0xC180] =	vst v63  }
0x86: {  	_ = 	snop  }
0x87: {  	[hbm4b:s6+s2] =	stream.indirect_vreg.scatter [tilespmem:s21], [sflag:$0x1], $0x80, v4, vm0, $0xb8;
	[tilespmem:$0xC180] =	vst v63  }
0x88: {  	_ = 	snop  }
0x89: {  	[hbm4b:s3+s2] =	stream.indirect_vreg.scatter [tilespmem:s22], [sflag:$0x1], $0x80, v3, vm0, $0xb8;
	[tilespmem:$0xC180] =	vst v63  }
0x8a: {  	_ = 	snop  }
0x8b: {  	[hbm4b:s6+s2] =	stream.indirect_vreg.scatter [tilespmem:s23], [sflag:$0x1], $0x80, v3, vm0, $0xb8;
	[tilespmem:$0xC180] =	vst v63  }
0x8c: {  	v3 =	vld [tilespmem:$0xC0B0];
	_ =	sdelay $0x4  }
0x8d: {  	v63 =	vshll.u32 v3, $0x2  }
0x8e: {  	v3 =	vand.u32 $0x7, v3;
	v4 =	vand.u32 $0xFFFFFFE0, v63  }
0x8f: {  	v3 =	vor.u32 v3, v4  }
0x90: {  	v4 =	vperm.xlane v3, v0;
	_ =	sdelay $0x1  }
0x91: {  	v4 =	vadd.s32 v1, v4;
	_ =	sdelay $0x1  }
0x92: {  	v3 =	vperm.xlane v3, v2;
	_ =	sdelay $0x1  }
0x93: {  	v3 =	vadd.s32 v1, v3  }
0x94: {  	[hbm4b:s3+s2] =	stream.indirect_vreg.scatter [tilespmem:s24], [sflag:$0x1], $0x80, v4, vm0, $0xb8;
	[tilespmem:$0xC180] =	vst v63  }
0x95: {  	_ = 	snop  }
0x96: {  	[hbm4b:s6+s2] =	stream.indirect_vreg.scatter [tilespmem:s25], [sflag:$0x1], $0x80, v4, vm0, $0xb8;
	[tilespmem:$0xC180] =	vst v63  }
0x97: {  	_ = 	snop  }
0x98: {  	[hbm4b:s3+s2] =	stream.indirect_vreg.scatter [tilespmem:s26], [sflag:$0x1], $0x80, v3, vm0, $0xb8;
	[tilespmem:$0xC180] =	vst v63  }
0x99: {  	_ = 	snop  }
0x9a: {  	[hbm4b:s6+s2] =	stream.indirect_vreg.scatter [tilespmem:s28], [sflag:$0x1], $0x80, v3, vm0, $0xb8;
	[tilespmem:$0xC180] =	vst v63  }
0x9b: {  	_ =	swait.ge [sflag:s29], $0x8000  }
0x9c: {  	[sflag:s29] =	ssyncset.done $0x0  }
0x9d: {  	[sflag:s29] =	ssyncadd.s32 $0xFFFF8000  }
0x9e: {  	[tilespmem:s30], [sflag:$0x2] =	stream.linear.gather [hbm4b:s7+s2], $0x4000, $0x38;
	[tilespmem:$0xC180] =	vst v63  }
0x9f: {  	_ =	swait.ge [sflag:s10], $0x4000  }
0xa0: {  	[sflag:s10] =	ssyncset.done $0x0  }
0xa1: {  	[sflag:s10] =	ssyncadd.s32 $0xFFFFC000  }
0xa2: {  	[tilespmem:s31], [sflag:$0x2] =	stream.linear.gather [hbm4b:s8+s2], $0x80, $0x38;
	[tilespmem:$0xC180] =	vst v63  }
0xa3: {  	_ =	swait.ge [sflag:s10], $0x80  }
0xa4: {  	p0 =	sne.s32 s9, $0x1;
	[sflag:s10] =	ssyncset.done $0x0  }
.Ltmp0:
0xa5: {  	s0 =	rddreg [dreg:$0x3];
	[sflag:s10] =	ssyncadd.s32 $0xFFFFFF80;
	(pc) =	sbr.rel @p0 .LBB2_1-.Ltmp0, $4  }
0xa6: {  	[hbm4b:s0+s1] =	stream.indirect.scatter [tilespmem:s30], [sflag:$0x1], $0x80, s31, s1, $0xb8;
	[tilespmem:$0xC180] =	vst v63  }
0xa7: {  	_ =	swait.ge [sflag:s29], $0x4000  }
0xa8: {  	[sflag:s29] =	ssyncset.done $0x0  }
0xa9: {  	s9 =	sadd.s32 $0xFFFFFFFF, s9;
	[sflag:s29] =	ssyncadd.s32 $0xFFFFC000  }
0xaa: {  	_ =	sfence.sel $0x180000  }
0xab: {  	[bflag:$0x0] =	sbarrier.arrive $0xFFFF  }
0xac: {  	_ =	strace $0x90000047  }
0xad: {  	s0 =	stileid.u32;
	[bflag:$0x2] =	sbarrier.arrive $0xFFFF  }
0xae: {  	p0 =	sne.s32 s0, $0x0;
	s0 =	rddreg [dreg:$0x2]  }
0xaf: {  	s0 =	sadd.s32 @!p0 $0x100000, s0  }
0xb0: {  	[sflag:s0] =	ssyncadd.tile.s32 @!p0 $0x1;
	_ =	shalt  }
.Lfunc_end2:
_tile_overlayer_lowered:
.L_overlay_start_2:
0xb1: {  	(tag) =	ssettag $0x2  }
0xb2: {  	s0 =	rddreg [dreg:$0x0];
	s2 =	stileid.u32  }
0xb3: {  	s1 =	rddreg [dreg:$0x1];
	p0 =	sne.s32 s2, $0x0  }
0xb4: {  	s3 =	rddreg [dreg:$0x2];
	[bflag:$0x3] =	sbarrier.arrive $0xFFFF;
	s2 =	simm.s32 @!p0 $0x1C02  }
0xb5: {  	[timem:s3], [sflag:s2] =	dma.local @!p0 [hbm:s0], s1  }
0xb6: {  	s0 =	simm.s32 @!p0 $0x2  }
0xb7: {  	_ =	swait.ge @!p0 [sflag:s0], s1  }
0xb8: {  	s1 =	ssub.s32 @!p0 $0x0, s1;
	[sflag:s0] =	ssyncset.done @!p0 $0x0  }
0xb9: {  	[sflag:s0] =	ssyncadd.s32 @!p0 s1  }
0xba: {  	[bflag:$0x3] =	sbarrier.arrive $0xFFFF  }
0xbb: {  	_ =	shalt  }

// kernel: kernel.9.cloned.1.call-start
scs
__scs_entry_jumppad:
0x0: {  	(pc) =	sbr.rel $0x88, $3  }
0x1: {  	(tag) =	ssettag $0x0;
	lr =	simm.s32 $0x1  }
0x2: {  	[smem:$0x3F9C] =	sst lr;
	_ =	strace $0xD0000000  }
0x3: {  	_ = 	snop  }
0x4: {  	_ = 	snop  }
0x5: {  	_ = 	snop  }
0x6: {  	_ = 	snop  }
0x7: {  	_ = 	snop  }
__scs_overlays_trampoline_lowered:
0x8: {  	[smem:$0x3FAB] =	sst s0  }
0x9: {  	[smem:$0x3FAC] =	sst s1  }
0xa: {  	[smem:$0x3FAD] =	sst s2  }
0xb: {  	[smem:$0x3FAE] =	sst s3  }
0xc: {  	[smem:$0x3FAF] =	sst s4  }
0xd: {  	[smem:$0x3FB0] =	sst s5  }
0xe: {  	[smem:$0x3FB1] =	sst s6  }
0xf: {  	[smem:$0x3FB2] =	sst s7  }
0x10: {  	[smem:$0x3FB3] =	sst s8  }
0x11: {  	[smem:$0x3FB4] =	sst s9;
	s0 =	simm.s32 @!p0 $0x0  }
0x12: {  	s1 =	sld [smem:$0x3F9A];
	s0 =	simm.s32 @p0 $0x1  }
0x13: {  	[smem:$0x3FB5] =	sst s0;
	s0 =	simm.s32 @!p1 $0x0  }
0x14: {  	s2 =	sld [smem:$0x3F99];
	s0 =	simm.s32 @p1 $0x1  }
0x15: {  	[smem:$0x3FB6] =	sst s0;
	s0 =	simm.s32 @!p2 $0x0  }
0x16: {  	s3 =	sld [smem:$0x3FDB];
	s0 =	simm.s32 @p2 $0x1  }
0x17: {  	s4 =	simm.s32 $0x1BF5;
	[smem:$0x3FB8] =	sst s0  }
0x18: {  	s0 =	sld [smem:$0x3F9B];
	_ =	swait.ge [sflag:s4], $0x0  }
0x19: {  	s7 =	sld [smem:$0x3F9C]  }
0x1a: {  	s8 =	sadd.s32 $0xFFFFE003, lr  }
0x1b: {  	s9 =	sadd.s32 $0xFFFFFEF7, lr;
	s5 =	simm.s32 $0xFFFFFFFF;
	p2 =	slt.u32 s8, $0xFFFFF086  }
0x1c: {  	p1 =	slt.u32 s9, $0xF7A;
	s5 =	simm.s32 @!p2 $0x0  }
0x1d: {  	s5 =	simm.s32 @p1 $0x1;
	p0 =	seq.s32 s7, s2  }
0x1e: {  	s7 =	smul.u32 @!p0 $0xF7A, s2;
	p2 =	seq.s32 @!p0 s5, $0x0  }
0x1f: {  	s9 =	smul.u32 $0xF7A, s1;
	s8 =	simm.s32 @!p0 $0x1BF5;
	p2 =	por !p2, p0  }
0x20: {  	[sflag:s8] =	ssyncset.s32 @!p0 $0xFFFFF086;
	s6 =	sadd.s32 @!p0 s3, s7;
	s7 =	simm.s32 @!p0 $0x108  }
0x21: {  	s3 =	sadd.s32 s3, s9;
	s6 =	sadd.s32 @!p0 $0x88, s6;
	s7 =	simm.s32 @p2 $0x1082  }
0x22: {  	[simem:s7], [sflag:s8] =	dma.local @!p0 [hbm:s6], $0xF7A  }
0x23: {  	s9 =	sor.u32 $0xD0000000, s2;
	s6 =	simm.s32 $0x108;
	_ =	swait.ge @!p0 [sflag:s8], $0x0  }
0x24: {  	s3 =	sadd.s32 $0x88, s3;
	s6 =	simm.s32 @!p1 $0x1082;
	[sflag:s4] =	ssyncset.s32 $0xFFFFF086  }
0x25: {  	[simem:s6], [sflag:s4] =	dma.local [hbm:s3], $0xF7A  }
0x26: {  	[smem:$0x3F9C] =	sst s1;
	(tag) =	ssettag s2;
	_ =	strace s9  }
0x27: {  	s1 =	sld [smem:$0x3FAC]  }
0x28: {  	s2 =	sld [smem:$0x3FAD]  }
0x29: {  	s4 =	sld [smem:$0x3FAF]  }
0x2a: {  	p0 =	seq.s32 s5, $0x0;
	s5 =	sld [smem:$0x3FB0]  }
0x2b: {  	s6 =	sld [smem:$0x3FB1]  }
0x2c: {  	s7 =	sld [smem:$0x3FB2]  }
0x2d: {  	s3 =	simm.s32 $0x108;
	s8 =	sld [smem:$0x3FB3]  }
0x2e: {  	s3 =	simm.s32 @!p0 $0x1082;
	s9 =	sld [smem:$0x3FB4]  }
0x2f: {  	lr =	sadd.s32 s0, s3;
	s0 =	sld [smem:$0x3FAB]  }
0x30: {  	s3 =	sld [smem:$0x3FAE]  }
0x31: {  	[smem:$0x3FB7] =	sst s10  }
0x32: {  	s10 =	sld [smem:$0x3FB5];
	_ =	sdelay $0x3  }
0x33: {  	p0 =	seq.s32 s10, $0x1;
	s10 =	sld [smem:$0x3FB7];
	_ =	sdelay $0x3  }
0x34: {  	[smem:$0x3FB7] =	sst s10  }
0x35: {  	s10 =	sld [smem:$0x3FB6];
	_ =	sdelay $0x3  }
0x36: {  	p1 =	seq.s32 s10, $0x1;
	s10 =	sld [smem:$0x3FB7];
	_ =	sdelay $0x3  }
0x37: {  	[smem:$0x3FB7] =	sst s10  }
0x38: {  	s10 =	sld [smem:$0x3FB8]  }
0x39: {  	_ = 	snop;
	(pc) =	sbr.ind lr, $3  }
0x3a: {  	_ = 	snop  }
0x3b: {  	_ = 	snop  }
0x3c: {  	p2 =	seq.s32 s10, $0x1;
	s10 =	sld [smem:$0x3FB7]  }
0x3d: {  	_ =	shalt  }
0x3e: {  	_ =	shalt  }
0x3f: {  	_ =	shalt  }
0x40: {  	_ =	shalt  }
0x41: {  	_ =	shalt  }
0x42: {  	_ =	shalt  }
0x43: {  	_ =	shalt  }
0x44: {  	_ =	shalt  }
0x45: {  	_ =	shalt  }
0x46: {  	_ =	shalt  }
0x47: {  	_ =	shalt  }
0x48: {  	_ =	shalt  }
0x49: {  	_ =	shalt  }
0x4a: {  	_ =	shalt  }
0x4b: {  	_ =	shalt  }
0x4c: {  	_ =	shalt  }
0x4d: {  	_ =	shalt  }
0x4e: {  	_ =	shalt  }
0x4f: {  	_ =	shalt  }
0x50: {  	_ =	shalt  }
0x51: {  	_ =	shalt  }
0x52: {  	_ =	shalt  }
0x53: {  	_ =	shalt  }
0x54: {  	_ =	shalt  }
0x55: {  	_ =	shalt  }
0x56: {  	_ =	shalt  }
0x57: {  	_ =	shalt  }
0x58: {  	_ =	shalt  }
0x59: {  	_ =	shalt  }
0x5a: {  	_ =	shalt  }
0x5b: {  	_ =	shalt  }
0x5c: {  	_ =	shalt  }
0x5d: {  	_ =	shalt  }
0x5e: {  	_ =	shalt  }
0x5f: {  	_ =	shalt  }
0x60: {  	_ =	shalt  }
0x61: {  	_ =	shalt  }
0x62: {  	_ =	shalt  }
0x63: {  	_ =	shalt  }
0x64: {  	_ =	shalt  }
0x65: {  	_ =	shalt  }
0x66: {  	_ =	shalt  }
0x67: {  	_ =	shalt  }
0x68: {  	_ =	shalt  }
0x69: {  	_ =	shalt  }
0x6a: {  	_ =	shalt  }
0x6b: {  	_ =	shalt  }
0x6c: {  	_ =	shalt  }
0x6d: {  	_ =	shalt  }
0x6e: {  	_ =	shalt  }
0x6f: {  	_ =	shalt  }
0x70: {  	_ =	shalt  }
0x71: {  	_ =	shalt  }
0x72: {  	_ =	shalt  }
0x73: {  	_ =	shalt  }
0x74: {  	_ =	shalt  }
0x75: {  	_ =	shalt  }
0x76: {  	_ =	shalt  }
0x77: {  	_ =	shalt  }
0x78: {  	_ =	shalt  }
0x79: {  	_ =	shalt  }
0x7a: {  	_ =	shalt  }
0x7b: {  	_ =	shalt  }
0x7c: {  	_ =	shalt  }
0x7d: {  	_ =	shalt  }
0x7e: {  	_ =	shalt  }
0x7f: {  	_ =	shalt  }
0x80: {  	_ =	shalt  }
0x81: {  	_ =	shalt  }
0x82: {  	_ =	shalt  }
0x83: {  	_ =	shalt  }
0x84: {  	_ =	shalt  }
0x85: {  	_ =	shalt  }
0x86: {  	_ =	shalt  }
0x87: {  	_ =	shalt  }
.Lfunc_end0:
.L_simem_size_0:
called_computation.1_lowered:
.L_overlay_start_0:
0x88: {  	s2 =	sld [smem:$0x3FD9]  }
0x89: {  	s3 =	sld [smem:$0x3FFE];
	_ =	sdelay $0x1  }
0x8a: {  	s1 =	srdreg.scid  }
0x8b: {  	s0 =	sand.u32 $0x1, s1  }
0x8c: {  	s17 =	sshll.u32 s0, $0xA;
	s2 =	sadd.s32 s3, s2  }
0x8d: {  	s2 =	sadd.s32 s2, s17  }
0x8e: {  	[smem:$0x3FC3] =	sst s2  }
0x8f: {  	_ = 	snop  }
0x90: {  	s2 =	sld [smem:$0x3FD0];
	(tm) =	ssettm $0x1  }
0x91: {  	s18 =	sld [smem:$0x3FFB];
	_ =	sdelay $0x3  }
0x92: {  	_ =	strace s18  }
0x93: {  	s3 =	sld [smem:$0x3FFC];
	_ =	sdelay $0x3  }
0x94: {  	_ =	strace s3  }
0x95: {  	s3 =	sld [smem:$0x3FFD];
	_ =	sdelay $0x3  }
0x96: {  	_ =	strace s3  }
0x97: {  	_ =	strace $0x8FFFFFFF  }
0x98: {  	s19 =	sld [smem:$0x3FDB];
	_ =	sdelay $0x1  }
0x99: {  	s4 =	simm.s32 $_scs_section_size  }
0x9a: {  	s5 =	simm.s32 $_size__tile_overlayer_lowered;
	s6 =	simm.s32 $_tile_overlayer_lowered  }
0x9b: {  	s22 =	simm.s32 $0x1BFF;
	s21 =	sshll.u32 s6, $0x1;
	s3 =	sadd.s32 s4, s19  }
0x9c: {  	s7 =	simm.s32 $0x0;
	s20 =	sshll.u32 s5, $0x1;
	s5 =	sadd.s32 s21, s3  }
0x9d: {  	[timem:s7], [sflag:s22] =	dma.local [hbm:s5], s20  }
0x9e: {  	_ =	swait.ge [sflag:s22], s20  }
0x9f: {  	s4 =	ssub.s32 $0x0, s20;
	[sflag:s22] =	ssyncset.done $0x0  }
0xa0: {  	[sflag:s22] =	ssyncadd.s32 s4;
	_ =	sdelay $0x1  }
0xa1: {  	s23 =	simm.s32 $0x1B8B  }
0xa2: {  	_ =	swait.ge [sflag:s23], $0x1  }
0xa3: {  	[sflag:s23] =	ssyncset.done $0x0  }
0xa4: {  	s25 =	simm.s32 $0x1B8E;
	s24 =	sld [smem:$0x3FFE];
	[sflag:s23] =	ssyncadd.s32 $0xFFFFFFFF  }
0xa5: {  	s26 =	simm.s32 $execute0_lowered;
	[smem:$0x3FD2] =	sst s25  }
0xa6: {  	s5 =	sshll.u32 s26, $0x1;
	_ =	strace $0x80000049;
	[dreg:$0x1] =	wrdreg $0xFFFFFFFF  }
0xa7: {  	s28 =	simm.s32 $_size_execute0_lowered;
	s3 =	sadd.s32 s3, s5;
	[dreg:$0x0] =	wrdreg $0x0  }
0xa8: {  	s5 =	sshll.u32 s28, $0x1;
	[dreg:$0x2] =	wrdreg s3  }
0xa9: {  	[dreg:$0x3] =	wrdreg s5  }
0xaa: {  	[dreg:$0x4] =	wrdreg $0xC0  }
0xab: {  	_ =	task [dreg:s7], $0x5FFFF  }
0xac: {  	[dreg:$0x1] =	wrdreg $0xFFFFFFFF  }
0xad: {  	[dreg:$0x0] =	wrdreg $0x60  }
0xae: {  	[dreg:$0x2] =	wrdreg s24  }
0xaf: {  	[dreg:$0x3] =	wrdreg s2  }
0xb0: {  	[dreg:$0x4] =	wrdreg $0x9  }
0xb1: {  	_ =	task.clear_ibuf [dreg:s7], $0x5FFFF;
	_ =	strace $0x90000049  }
0xb2: {  	s29 =	simm.s32 $0x9;
	_ =	strace $0x8000004B  }
0xb3: {  	_ =	swait.ge [sflag:s29], $0x1  }
0xb4: {  	[sflag:s29] =	ssyncadd.s32 $0xFFFFFFFF  }
0xb5: {  	_ =	strace $0x9000004B  }
0xb6: {  	_ =	sfence  }
0xb7: {  	s30 =	sld [smem:$0x0];
	_ =	sdelay $0x2  }
0xb8: {  	s31 =	sshll.u32 s1, $0xD;
	s1 =	sshrl.u32 s1, $0x2  }
0xb9: {  	s3 =	sand.u32 $0x4000, s31;
	s1 =	sadd.s32 s1, s30  }
0xba: {  	s0 =	sor.u32 s3, s0;
	s1 =	sshll.u32 s1, $0x11  }
0xbb: {  	s0 =	sor.u32 s1, s0  }
0xbc: {  	s0 =	sadd.s32 $0x8F2B, s0  }
0xbd: {  	[sflag:s0] =	ssyncadd.remote.s32 $0x1  }
0xbe: {  	_ =	sfence.sel $0xFFFF  }
0xbf: {  	[dreg:$0x0] =	wrdreg $0xFFFFFFFF;
	(pc) =	sbr.abs _section_cstart, $3  }
0xc0: {  	[dreg:$0x1] =	wrdreg $0xFFFFFFFF  }
0xc1: {  	_ =	task.clear_ibuf [dreg:s7], $0x2FFFF;
	_ =	strace $0x9FFFFFFF  }
0xc2: {  	(tm) =	ssettm $0x7FFFFFFF  }
0xc3: {  	_ =	shalt  }
tec
execute0_lowered:
.L_overlay_start_1:
0x0: {  	(tag) =	ssettag $0x1  }
0x1: {  	s5 =	rddreg [dreg:$0x0]  }
0x2: {  	s6 =	rddreg [dreg:$0x1]  }
0x3: {  	s0 =	rddreg [dreg:$0x2];
	s2 =	simm.s32 $0x0;
	s3 =	srdreg.scid  }
0x4: {  	s1 =	stileid.u32;
	s11 =	simm.s32 $0x2;
	s12 =	simm.s32 $0x800  }
0x5: {  	s13 =	simm.s32 $0x1000;
	s14 =	simm.s32 $0x1800;
	s15 =	simm.s32 $0x2000  }
0x6: {  	s16 =	simm.s32 $0x2800;
	s17 =	simm.s32 $0x3000;
	s18 =	simm.s32 $0x3800  }
0x7: {  	s19 =	simm.s32 $0x4000;
	s20 =	simm.s32 $0x4800;
	s21 =	simm.s32 $0x5000  }
0x8: {  	s22 =	simm.s32 $0x5800;
	s23 =	simm.s32 $0x6000;
	s24 =	simm.s32 $0x6800  }
0x9: {  	s25 =	simm.s32 $0x7000;
	s26 =	simm.s32 $0x7800;
	s28 =	simm.s32 $0x1  }
0xa: {  	[smem:$0x7FF] =	sst s2;
	s4 =	sand.u32 $0x1, s3;
	s7 =	sshll.u32 s1, $0x7  }
0xb: {  	s3 =	sadd.s32 $0x600, s5;
	s8 =	sshll.u32 s4, $0x6;
	s4 =	ssub.s32 $0x2, s4  }
0xc: {  	_ =	strace $0x8000004A;
	s7 =	sor.u32 s8, s7;
	s9 =	sshrl.u32 s4, $0x1  }
0xd: {  	s8 =	sshrl.u32 s7, $0x3;
	s7 =	sshll.u32 s7, $0x6;
	s9 =	ssub.s32 s4, s9  }
0xe: {  	v2 =	vlaneseq.u32;
	s8 =	sadd.s32 s8, s5;
	s10 =	sadd.s32 s7, s5;
	s5 =	sadd.s32 $0x700, s5  }
0xf: {  	vm0 =	vmmov $0xffff;
	v1 =	vshrl.u32 v2, $0x3;
	s6 =	sadd.s32 s6, s7;
	s9 =	smax.u32 s9, $0x1;
	s4 =	sadd.s32 $0x400, s8  }
0x10: {  	v0 =	vand.u32 $0x7, v2;
	v2 =	vor.u32 $0x8, v2;
	v1 =	vmul.u32 $0x8, v1;
	s7 =	sadd.s32 $0x200, s8;
	s8 =	sadd.s32 $0x60600, s10;
	s10 =	simm.s32 $0x8000  }
.LBB2_1:
0x11: {  	[tilespmem:s10], [sflag:$0x2] =	stream.linear.gather [hbm4b:s4+s2], $0x40, $0x38;
	[tilespmem:$0x8080] =	vst v63  }
0x12: {  	_ =	swait.ge [sflag:s11], $0x40  }
0x13: {  	[sflag:s11] =	ssyncset.done $0x0  }
0x14: {  	[sflag:s11] =	ssyncadd.s32 $0xFFFFFFC0  }
0x15: {  	v3 =	vld [tilespmem:$0x8000];
	_ =	sdelay $0x4  }
0x16: {  	v4 =	vshll.u32 v3, $0x2  }
0x17: {  	v3 =	vand.u32 $0x7, v3;
	v4 =	vand.u32 $0xFFFFFFE0, v4  }
0x18: {  	v3 =	vor.u32 v3, v4  }
0x19: {  	v4 =	vperm.xlane v3, v0;
	_ =	sdelay $0x1  }
0x1a: {  	v4 =	vadd.s32 v1, v4;
	_ =	sdelay $0x1  }
0x1b: {  	v3 =	vperm.xlane v3, v2;
	_ =	sdelay $0x1  }
0x1c: {  	v3 =	vadd.s32 v1, v3  }
0x1d: {  	[tilespmem:s2], [sflag:$0x1] =	stream.indirect_vreg.gather [hbm4b:s3+s2], $0x80, v4, vm0, $0xb8;
	[tilespmem:$0x8080] =	vst v63  }
0x1e: {  	_ = 	snop  }
0x1f: {  	[tilespmem:s12], [sflag:$0x1] =	stream.indirect_vreg.gather [hbm4b:s5+s2], $0x80, v4, vm0, $0xb8;
	[tilespmem:$0x8080] =	vst v63  }
0x20: {  	_ = 	snop  }
0x21: {  	[tilespmem:s13], [sflag:$0x1] =	stream.indirect_vreg.gather [hbm4b:s3+s2], $0x80, v3, vm0, $0xb8;
	[tilespmem:$0x8080] =	vst v63  }
0x22: {  	_ = 	snop  }
0x23: {  	[tilespmem:s14], [sflag:$0x1] =	stream.indirect_vreg.gather [hbm4b:s5+s2], $0x80, v3, vm0, $0xb8;
	[tilespmem:$0x8080] =	vst v63  }
0x24: {  	v3 =	vld [tilespmem:$0x8010];
	_ =	sdelay $0x4  }
0x25: {  	v57 =	vshll.u32 v3, $0x2  }
0x26: {  	v3 =	vand.u32 $0x7, v3;
	v4 =	vand.u32 $0xFFFFFFE0, v57  }
0x27: {  	v3 =	vor.u32 v3, v4  }
0x28: {  	v4 =	vperm.xlane v3, v0;
	_ =	sdelay $0x1  }
0x29: {  	v4 =	vadd.s32 v1, v4;
	_ =	sdelay $0x1  }
0x2a: {  	v3 =	vperm.xlane v3, v2;
	_ =	sdelay $0x1  }
0x2b: {  	v3 =	vadd.s32 v1, v3  }
0x2c: {  	[tilespmem:s15], [sflag:$0x1] =	stream.indirect_vreg.gather [hbm4b:s3+s2], $0x80, v4, vm0, $0xb8;
	[tilespmem:$0x8080] =	vst v63  }
0x2d: {  	_ = 	snop  }
0x2e: {  	[tilespmem:s16], [sflag:$0x1] =	stream.indirect_vreg.gather [hbm4b:s5+s2], $0x80, v4, vm0, $0xb8;
	[tilespmem:$0x8080] =	vst v63  }
0x2f: {  	_ = 	snop  }
0x30: {  	[tilespmem:s17], [sflag:$0x1] =	stream.indirect_vreg.gather [hbm4b:s3+s2], $0x80, v3, vm0, $0xb8;
	[tilespmem:$0x8080] =	vst v63  }
0x31: {  	_ = 	snop  }
0x32: {  	[tilespmem:s18], [sflag:$0x1] =	stream.indirect_vreg.gather [hbm4b:s5+s2], $0x80, v3, vm0, $0xb8;
	[tilespmem:$0x8080] =	vst v63  }
0x33: {  	v3 =	vld [tilespmem:$0x8020];
	_ =	sdelay $0x4  }
0x34: {  	v58 =	vshll.u32 v3, $0x2  }
0x35: {  	v3 =	vand.u32 $0x7, v3;
	v4 =	vand.u32 $0xFFFFFFE0, v58  }
0x36: {  	v3 =	vor.u32 v3, v4  }
0x37: {  	v4 =	vperm.xlane v3, v0;
	_ =	sdelay $0x1  }
0x38: {  	v4 =	vadd.s32 v1, v4;
	_ =	sdelay $0x1  }
0x39: {  	v3 =	vperm.xlane v3, v2;
	_ =	sdelay $0x1  }
0x3a: {  	v3 =	vadd.s32 v1, v3  }
0x3b: {  	[tilespmem:s19], [sflag:$0x1] =	stream.indirect_vreg.gather [hbm4b:s3+s2], $0x80, v4, vm0, $0xb8;
	[tilespmem:$0x8080] =	vst v63  }
0x3c: {  	_ = 	snop  }
0x3d: {  	[tilespmem:s20], [sflag:$0x1] =	stream.indirect_vreg.gather [hbm4b:s5+s2], $0x80, v4, vm0, $0xb8;
	[tilespmem:$0x8080] =	vst v63  }
0x3e: {  	_ = 	snop  }
0x3f: {  	[tilespmem:s21], [sflag:$0x1] =	stream.indirect_vreg.gather [hbm4b:s3+s2], $0x80, v3, vm0, $0xb8;
	[tilespmem:$0x8080] =	vst v63  }
0x40: {  	_ = 	snop  }
0x41: {  	[tilespmem:s22], [sflag:$0x1] =	stream.indirect_vreg.gather [hbm4b:s5+s2], $0x80, v3, vm0, $0xb8;
	[tilespmem:$0x8080] =	vst v63  }
0x42: {  	v3 =	vld [tilespmem:$0x8030];
	_ =	sdelay $0x4  }
0x43: {  	v59 =	vshll.u32 v3, $0x2  }
0x44: {  	v3 =	vand.u32 $0x7, v3;
	v4 =	vand.u32 $0xFFFFFFE0, v59  }
0x45: {  	v3 =	vor.u32 v3, v4  }
0x46: {  	v4 =	vperm.xlane v3, v0;
	_ =	sdelay $0x1  }
0x47: {  	v4 =	vadd.s32 v1, v4;
	_ =	sdelay $0x1  }
0x48: {  	v3 =	vperm.xlane v3, v2;
	_ =	sdelay $0x1  }
0x49: {  	v3 =	vadd.s32 v1, v3  }
0x4a: {  	[tilespmem:s23], [sflag:$0x1] =	stream.indirect_vreg.gather [hbm4b:s3+s2], $0x80, v4, vm0, $0xb8;
	[tilespmem:$0x8080] =	vst v63  }
0x4b: {  	_ = 	snop  }
0x4c: {  	[tilespmem:s24], [sflag:$0x1] =	stream.indirect_vreg.gather [hbm4b:s5+s2], $0x80, v4, vm0, $0xb8;
	[tilespmem:$0x8080] =	vst v63  }
0x4d: {  	_ = 	snop  }
0x4e: {  	[tilespmem:s25], [sflag:$0x1] =	stream.indirect_vreg.gather [hbm4b:s3+s2], $0x80, v3, vm0, $0xb8;
	[tilespmem:$0x8080] =	vst v63  }
0x4f: {  	_ = 	snop  }
0x50: {  	[tilespmem:s26], [sflag:$0x1] =	stream.indirect_vreg.gather [hbm4b:s5+s2], $0x80, v3, vm0, $0xb8;
	[tilespmem:$0x8080] =	vst v63  }
0x51: {  	_ =	swait.ge [sflag:s28], $0x8000  }
0x52: {  	[sflag:s28] =	ssyncset.done $0x0  }
0x53: {  	[sflag:s28] =	ssyncadd.s32 $0xFFFF8000  }
0x54: {  	[hbm4b:s6+s2] =	stream.linear.scatter [tilespmem:s2], [sflag:$0x2], $0x8000, $0x38;
	[tilespmem:$0x8080] =	vst v63  }
0x55: {  	_ =	swait.ge [sflag:s11], $0x8000  }
0x56: {  	[sflag:s11] =	ssyncset.done $0x0  }
0x57: {  	[sflag:s11] =	ssyncadd.s32 $0xFFFF8000  }
0x58: {  	[tilespmem:s10], [sflag:$0x2] =	stream.linear.gather [hbm4b:s7+s2], $0x40, $0x38;
	[tilespmem:$0x8080] =	vst v63  }
0x59: {  	_ =	swait.ge [sflag:s11], $0x40  }
0x5a: {  	[sflag:s11] =	ssyncset.done $0x0  }
0x5b: {  	[sflag:s11] =	ssyncadd.s32 $0xFFFFFFC0  }
0x5c: {  	v3 =	vld [tilespmem:$0x8000];
	_ =	sdelay $0x4  }
0x5d: {  	v60 =	vshll.u32 v3, $0x2  }
0x5e: {  	v3 =	vand.u32 $0x7, v3;
	v4 =	vand.u32 $0xFFFFFFE0, v60  }
0x5f: {  	v3 =	vor.u32 v3, v4  }
0x60: {  	v4 =	vperm.xlane v3, v0;
	_ =	sdelay $0x1  }
0x61: {  	v4 =	vadd.s32 v1, v4;
	_ =	sdelay $0x1  }
0x62: {  	v3 =	vperm.xlane v3, v2;
	_ =	sdelay $0x1  }
0x63: {  	v3 =	vadd.s32 v1, v3  }
0x64: {  	[tilespmem:s2], [sflag:$0x1] =	stream.indirect_vreg.gather [hbm4b:s3+s2], $0x80, v4, vm0, $0xb8;
	[tilespmem:$0x8080] =	vst v63  }
0x65: {  	_ = 	snop  }
0x66: {  	[tilespmem:s12], [sflag:$0x1] =	stream.indirect_vreg.gather [hbm4b:s5+s2], $0x80, v4, vm0, $0xb8;
	[tilespmem:$0x8080] =	vst v63  }
0x67: {  	_ = 	snop  }
0x68: {  	[tilespmem:s13], [sflag:$0x1] =	stream.indirect_vreg.gather [hbm4b:s3+s2], $0x80, v3, vm0, $0xb8;
	[tilespmem:$0x8080] =	vst v63  }
0x69: {  	_ = 	snop  }
0x6a: {  	[tilespmem:s14], [sflag:$0x1] =	stream.indirect_vreg.gather [hbm4b:s5+s2], $0x80, v3, vm0, $0xb8;
	[tilespmem:$0x8080] =	vst v63  }
0x6b: {  	v3 =	vld [tilespmem:$0x8010];
	_ =	sdelay $0x4  }
0x6c: {  	v61 =	vshll.u32 v3, $0x2  }
0x6d: {  	v3 =	vand.u32 $0x7, v3;
	v4 =	vand.u32 $0xFFFFFFE0, v61  }
0x6e: {  	v3 =	vor.u32 v3, v4  }
0x6f: {  	v4 =	vperm.xlane v3, v0;
	_ =	sdelay $0x1  }
0x70: {  	v4 =	vadd.s32 v1, v4;
	_ =	sdelay $0x1  }
0x71: {  	v3 =	vperm.xlane v3, v2;
	_ =	sdelay $0x1  }
0x72: {  	v3 =	vadd.s32 v1, v3  }
0x73: {  	[tilespmem:s15], [sflag:$0x1] =	stream.indirect_vreg.gather [hbm4b:s3+s2], $0x80, v4, vm0, $0xb8;
	[tilespmem:$0x8080] =	vst v63  }
0x74: {  	_ = 	snop  }
0x75: {  	[tilespmem:s16], [sflag:$0x1] =	stream.indirect_vreg.gather [hbm4b:s5+s2], $0x80, v4, vm0, $0xb8;
	[tilespmem:$0x8080] =	vst v63  }
0x76: {  	_ = 	snop  }
0x77: {  	[tilespmem:s17], [sflag:$0x1] =	stream.indirect_vreg.gather [hbm4b:s3+s2], $0x80, v3, vm0, $0xb8;
	[tilespmem:$0x8080] =	vst v63  }
0x78: {  	_ = 	snop  }
0x79: {  	[tilespmem:s18], [sflag:$0x1] =	stream.indirect_vreg.gather [hbm4b:s5+s2], $0x80, v3, vm0, $0xb8;
	[tilespmem:$0x8080] =	vst v63  }
0x7a: {  	v3 =	vld [tilespmem:$0x8020];
	_ =	sdelay $0x4  }
0x7b: {  	v62 =	vshll.u32 v3, $0x2  }
0x7c: {  	v3 =	vand.u32 $0x7, v3;
	v4 =	vand.u32 $0xFFFFFFE0, v62  }
0x7d: {  	v3 =	vor.u32 v3, v4  }
0x7e: {  	v4 =	vperm.xlane v3, v0;
	_ =	sdelay $0x1  }
0x7f: {  	v4 =	vadd.s32 v1, v4;
	_ =	sdelay $0x1  }
0x80: {  	v3 =	vperm.xlane v3, v2;
	_ =	sdelay $0x1  }
0x81: {  	v3 =	vadd.s32 v1, v3  }
0x82: {  	[tilespmem:s19], [sflag:$0x1] =	stream.indirect_vreg.gather [hbm4b:s3+s2], $0x80, v4, vm0, $0xb8;
	[tilespmem:$0x8080] =	vst v63  }
0x83: {  	_ = 	snop  }
0x84: {  	[tilespmem:s20], [sflag:$0x1] =	stream.indirect_vreg.gather [hbm4b:s5+s2], $0x80, v4, vm0, $0xb8;
	[tilespmem:$0x8080] =	vst v63  }
0x85: {  	_ = 	snop  }
0x86: {  	[tilespmem:s21], [sflag:$0x1] =	stream.indirect_vreg.gather [hbm4b:s3+s2], $0x80, v3, vm0, $0xb8;
	[tilespmem:$0x8080] =	vst v63  }
0x87: {  	_ = 	snop  }
0x88: {  	[tilespmem:s22], [sflag:$0x1] =	stream.indirect_vreg.gather [hbm4b:s5+s2], $0x80, v3, vm0, $0xb8;
	[tilespmem:$0x8080] =	vst v63  }
0x89: {  	v3 =	vld [tilespmem:$0x8030];
	_ =	sdelay $0x4  }
0x8a: {  	v63 =	vshll.u32 v3, $0x2  }
0x8b: {  	v3 =	vand.u32 $0x7, v3;
	v4 =	vand.u32 $0xFFFFFFE0, v63  }
0x8c: {  	v3 =	vor.u32 v3, v4  }
0x8d: {  	v4 =	vperm.xlane v3, v0;
	_ =	sdelay $0x1  }
0x8e: {  	v4 =	vadd.s32 v1, v4;
	_ =	sdelay $0x1  }
0x8f: {  	v3 =	vperm.xlane v3, v2;
	_ =	sdelay $0x1  }
0x90: {  	v3 =	vadd.s32 v1, v3  }
0x91: {  	[tilespmem:s23], [sflag:$0x1] =	stream.indirect_vreg.gather [hbm4b:s3+s2], $0x80, v4, vm0, $0xb8;
	[tilespmem:$0x8080] =	vst v63  }
0x92: {  	_ = 	snop  }
0x93: {  	[tilespmem:s24], [sflag:$0x1] =	stream.indirect_vreg.gather [hbm4b:s5+s2], $0x80, v4, vm0, $0xb8;
	[tilespmem:$0x8080] =	vst v63  }
0x94: {  	_ = 	snop  }
0x95: {  	[tilespmem:s25], [sflag:$0x1] =	stream.indirect_vreg.gather [hbm4b:s3+s2], $0x80, v3, vm0, $0xb8;
	[tilespmem:$0x8080] =	vst v63  }
0x96: {  	_ = 	snop  }
0x97: {  	[tilespmem:s26], [sflag:$0x1] =	stream.indirect_vreg.gather [hbm4b:s5+s2], $0x80, v3, vm0, $0xb8;
	[tilespmem:$0x8080] =	vst v63  }
0x98: {  	_ =	swait.ge [sflag:s28], $0x8000  }
0x99: {  	p0 =	sne.s32 s9, $0x1;
	[sflag:s28] =	ssyncset.done $0x0  }
.Ltmp0:
0x9a: {  	[sflag:s28] =	ssyncadd.s32 $0xFFFF8000;
	(pc) =	sbr.rel @p0 .LBB2_1-.Ltmp0, $4  }
0x9b: {  	[hbm4b:s8+s2] =	stream.linear.scatter [tilespmem:s2], [sflag:$0x2], $0x8000, $0x38;
	[tilespmem:$0x8080] =	vst v63  }
0x9c: {  	_ =	swait.ge [sflag:s11], $0x8000  }
0x9d: {  	[sflag:s11] =	ssyncset.done $0x0  }
0x9e: {  	s9 =	sadd.s32 $0xFFFFFFFF, s9;
	[sflag:s11] =	ssyncadd.s32 $0xFFFF8000  }
0x9f: {  	_ =	sfence.sel $0x180000  }
0xa0: {  	[bflag:$0x0] =	sbarrier.arrive $0xFFFF  }
0xa1: {  	p0 =	sne.s32 s1, $0x0;
	_ =	strace $0x9000004A  }
0xa2: {  	s0 =	sadd.s32 @!p0 $0x100000, s0;
	[bflag:$0x2] =	sbarrier.arrive $0xFFFF  }
0xa3: {  	[sflag:s0] =	ssyncadd.tile.s32 @!p0 $0x1;
	_ =	shalt  }
.Lfunc_end2:
_tile_overlayer_lowered:
.L_overlay_start_2:
0xa4: {  	(tag) =	ssettag $0x2  }
0xa5: {  	s0 =	rddreg [dreg:$0x0];
	s2 =	stileid.u32  }
0xa6: {  	s1 =	rddreg [dreg:$0x1];
	p0 =	sne.s32 s2, $0x0  }
0xa7: {  	s3 =	rddreg [dreg:$0x2];
	[bflag:$0x3] =	sbarrier.arrive $0xFFFF;
	s2 =	simm.s32 @!p0 $0x1C02  }
0xa8: {  	[timem:s3], [sflag:s2] =	dma.local @!p0 [hbm:s0], s1  }
0xa9: {  	s0 =	simm.s32 @!p0 $0x2  }
0xaa: {  	_ =	swait.ge @!p0 [sflag:s0], s1  }
0xab: {  	s1 =	ssub.s32 @!p0 $0x0, s1;
	[sflag:s0] =	ssyncset.done @!p0 $0x0  }
0xac: {  	[sflag:s0] =	ssyncadd.s32 @!p0 s1  }
0xad: {  	[bflag:$0x3] =	sbarrier.arrive $0xFFFF  }
0xae: {  	_ =	shalt  }

</sc_bundles>
